<compile_context>
chip_gen: v7x
topology: tpu7x:2x2x1
jax: 0.10.2.dev20260603
libtpu: 0.0.44.dev20260713+nightly
codegen_flags: <defaults>
</compile_context>

<pallas_src>
import functools
import math

import jax
import jax.numpy as jnp
from jax import lax
from jax.experimental import pallas as pl
from jax.experimental.pallas import tpu as pltpu
from jax.experimental.pallas import tpu_sc as plsc

S, D, H, E, DFF = 2048, 768, 12, 8, 1536
DK = D // H
BT = 128
NB = 23
G = 3072
SB = 256
SQ = 256
LNEPS = 1e-5



def _qkv_body(x_ref, w_ref, b_ref, q_ref, k_ref, v_ref):
    acc = jnp.dot(x_ref[...], w_ref[...], preferred_element_type=jnp.float32)
    acc = acc + b_ref[...]
    q_ref[...] = acc[:, :D]
    k_ref[...] = acc[:, D:2 * D]
    v_ref[...] = acc[:, 2 * D:]


def _attn_body(q_ref, k_ref, v_ref, o_ref):
    for half in (0, 1):
        sl = slice(half * DK, (half + 1) * DK)
        q = q_ref[:, sl]
        k = k_ref[:, sl]
        s = lax.dot_general(q, k, (((1,), (1,)), ((), ())),
                            preferred_element_type=jnp.float32)
        s = s * (1.0 / math.sqrt(DK))
        m = jnp.max(s, axis=-1, keepdims=True)
        p = jnp.exp(s - m)
        l = jnp.sum(p, axis=-1, keepdims=True)
        o = jnp.dot(p / l, v_ref[:, sl], preferred_element_type=jnp.float32)
        o_ref[:, sl] = o


def _postattn_body(x_ref, a_ref, wo_ref, bo_ref, g_ref, b_ref,
                   gw_ref, gb_ref, x1_ref, eid_ref):
    o = jnp.dot(a_ref[...], wo_ref[...],
                preferred_element_type=jnp.float32) + bo_ref[...]
    t = x_ref[...] + o
    mean = jnp.mean(t, axis=-1, keepdims=True)
    var = jnp.mean((t - mean) ** 2, axis=-1, keepdims=True)
    x1 = (t - mean) * lax.rsqrt(var + LNEPS) * g_ref[...] + b_ref[...]
    x1_ref[...] = x1
    gs = jnp.dot(x1, gw_ref[...], preferred_element_type=jnp.float32) + gb_ref[...]
    mx = jnp.max(gs, axis=-1, keepdims=True)
    ii = lax.broadcasted_iota(jnp.int32, gs.shape, 1)
    eid = jnp.min(jnp.where(gs >= mx, ii, 128), axis=-1)
    eid_ref[...] = eid[:, None]


def _route_body(eid_ref, dst_ref, bexp_ref):
    e = eid_ref[...]
    ii = lax.broadcasted_iota(jnp.int32, (S, E), 1)
    oh = (e == ii).astype(jnp.float32)
    cs = oh
    sh = 1
    while sh < S:
        cs = cs + jnp.concatenate(
            [jnp.zeros((sh, E), jnp.float32), cs[:S - sh]], axis=0)
        sh *= 2
    rank = cs - oh
    myrank = jnp.sum(oh * rank, axis=1, keepdims=True)
    mypoff = jnp.zeros((S, 1), jnp.float32)
    bb = lax.broadcasted_iota(jnp.int32, (1, 128), 1).astype(jnp.float32) * BT
    bexp = jnp.zeros((1, 128), jnp.float32)
    poff = 0.0
    for ee in range(E):
        cnt = jnp.sum(oh[:, ee:ee + 1])
        padded = jnp.ceil(cnt / BT) * BT
        mypoff = mypoff + oh[:, ee:ee + 1] * poff
        end = poff + padded
        bexp = bexp + jnp.where(bb >= end, 1.0, 0.0)
        poff = end
    dst_ref[...] = (mypoff + myrank).astype(jnp.int32)
    bexp_ref[...] = jnp.minimum(bexp, float(E - 1)).astype(jnp.int32)


def _invperm_body(dst_ref, src_ref):
    d = dst_ref[...].astype(jnp.float32)
    g0 = pl.program_id(0) * 512
    gcols = (lax.broadcasted_iota(jnp.int32, (1, 512), 1) + g0).astype(jnp.float32)
    ohg = jnp.where(d == gcols, 1.0, 0.0)
    ivec = lax.broadcasted_iota(jnp.int32, (S, 1), 0).astype(jnp.float32)
    srcv = jnp.sum(ohg * ivec, axis=0, keepdims=True)
    anyv = jnp.sum(ohg, axis=0, keepdims=True)
    gci = lax.broadcasted_iota(jnp.int32, (1, 512), 1) + pl.program_id(0) * 512
    fall = jnp.bitwise_and(gci, S - 1)
    srci = jnp.where(anyv > 0.5, srcv.astype(jnp.int32), fall)
    src_ref[...] = srci.reshape(1, 1, 512)


def _ffn_body(be_ref, xs_ref, w1_ref, b1_ref, w2_ref, b2_ref, ys_ref):
    e = be_ref[pl.program_id(0)]
    xb = xs_ref[...]
    h = jnp.dot(xb, w1_ref[0], preferred_element_type=jnp.float32) + b1_ref[0]
    gelu = 0.5 * h * (1.0 + lax.erf(h * (1.0 / math.sqrt(2.0))))
    silu = h * jax.nn.sigmoid(h)
    a = jnp.where(e % 2 == 0, gelu, silu)
    y = jnp.dot(a, w2_ref[0], preferred_element_type=jnp.float32) + b2_ref[0]
    ys_ref[...] = y


def _ln_body(x1_ref, m_ref, g_ref, b_ref, o_ref):
    t = x1_ref[...] + m_ref[...]
    mean = jnp.mean(t, axis=-1, keepdims=True)
    var = jnp.mean((t - mean) ** 2, axis=-1, keepdims=True)
    o_ref[...] = (t - mean) * lax.rsqrt(var + LNEPS) * g_ref[...] + b_ref[...]



def _sc_gather(table, idx):
    n, d = table.shape
    b = idx.shape[0]
    info = plsc.get_sparse_core_info()
    nw = info.num_cores * info.num_subcores
    bpw = b // nw
    mesh = plsc.VectorSubcoreMesh(core_axis_name="c", subcore_axis_name="s")

    ch = 4
    cs = bpw // ch

    @functools.partial(
        pl.kernel, mesh=mesh,
        out_type=jax.ShapeDtypeStruct((b, d), jnp.float32),
        scratch_types=[
            pltpu.VMEM((ch, cs), jnp.int32),
            pltpu.VMEM((bpw, d), jnp.float32),
            pltpu.SemaphoreType.DMA((ch,)),
            pltpu.SemaphoreType.DMA((ch,)),
        ],
    )
    def k(table_hbm, idx_hbm, out_hbm, idx_v, rows_v, gsem, osem):
        wid = lax.axis_index("s") * info.num_cores + lax.axis_index("c")
        base = wid * bpw
        pltpu.sync_copy(idx_hbm.at[wid], idx_v)
        gets = [
            pltpu.async_copy(table_hbm.at[idx_v.at[c]],
                             rows_v.at[pl.ds(c * cs, cs)], gsem.at[c])
            for c in range(ch)
        ]
        puts = []
        for c in range(ch):
            gets[c].wait()
            puts.append(pltpu.async_copy(
                rows_v.at[pl.ds(c * cs, cs)],
                out_hbm.at[pl.ds(base + c * cs, cs)], osem.at[c]))
        for p in puts:
            p.wait()

    return k(table, idx.reshape(nw, ch, cs))



def kernel(x, Wq, bq, Wk, bk, Wv, bv, Wo, bo, ln1_g, ln1_b,
           gate_W, gate_b, eW1, eb1, eW2, eb2, ln3_g, ln3_b):
    f32 = jnp.float32
    x2 = x.reshape(S, D)
    wqkv = jnp.concatenate([Wq, Wk, Wv], axis=1)
    bqkv = jnp.concatenate([bq, bk, bv]).reshape(1, 3 * D)

    q, k, v = pl.pallas_call(
        _qkv_body,
        grid=(S // SB,),
        in_specs=[
            pl.BlockSpec((SB, D), lambda i: (i, 0)),
            pl.BlockSpec((D, 3 * D), lambda i: (0, 0)),
            pl.BlockSpec((1, 3 * D), lambda i: (0, 0)),
        ],
        out_specs=[
            pl.BlockSpec((SB, D), lambda i: (i, 0)),
            pl.BlockSpec((SB, D), lambda i: (i, 0)),
            pl.BlockSpec((SB, D), lambda i: (i, 0)),
        ],
        out_shape=[jax.ShapeDtypeStruct((S, D), f32)] * 3,
    )(x2, wqkv, bqkv)

    attn = pl.pallas_call(
        _attn_body,
        grid=(H // 2, S // SQ),
        in_specs=[
            pl.BlockSpec((SQ, 2 * DK), lambda p, i: (i, p)),
            pl.BlockSpec((S, 2 * DK), lambda p, i: (0, p)),
            pl.BlockSpec((S, 2 * DK), lambda p, i: (0, p)),
        ],
        out_specs=pl.BlockSpec((SQ, 2 * DK), lambda p, i: (i, p)),
        out_shape=jax.ShapeDtypeStruct((S, D), f32),
    )(q, k, v)

    gwp = jnp.zeros((D, 128), f32).at[:, :E].set(gate_W)
    gbp = jnp.full((1, 128), -1e30, f32).at[0, :E].set(gate_b)

    x1, eid = pl.pallas_call(
        _postattn_body,
        grid=(S // SB,),
        in_specs=[
            pl.BlockSpec((SB, D), lambda i: (i, 0)),
            pl.BlockSpec((SB, D), lambda i: (i, 0)),
            pl.BlockSpec((D, D), lambda i: (0, 0)),
            pl.BlockSpec((1, D), lambda i: (0, 0)),
            pl.BlockSpec((1, D), lambda i: (0, 0)),
            pl.BlockSpec((1, D), lambda i: (0, 0)),
            pl.BlockSpec((D, 128), lambda i: (0, 0)),
            pl.BlockSpec((1, 128), lambda i: (0, 0)),
        ],
        out_specs=[
            pl.BlockSpec((SB, D), lambda i: (i, 0)),
            pl.BlockSpec((SB, 1), lambda i: (i, 0)),
        ],
        out_shape=[
            jax.ShapeDtypeStruct((S, D), f32),
            jax.ShapeDtypeStruct((S, 1), jnp.int32),
        ],
    )(x2, attn, Wo, bo.reshape(1, D),
      ln1_g.reshape(1, D), ln1_b.reshape(1, D), gwp, gbp)

    dst, bexp = pl.pallas_call(
        _route_body,
        out_shape=[
            jax.ShapeDtypeStruct((S, 1), jnp.int32),
            jax.ShapeDtypeStruct((1, 128), jnp.int32),
        ],
    )(eid)

    src3 = pl.pallas_call(
        _invperm_body,
        grid=(G // 512,),
        in_specs=[pl.BlockSpec((S, 1), lambda i: (0, 0))],
        out_specs=pl.BlockSpec((1, 1, 512), lambda i: (i, 0, 0)),
        out_shape=jax.ShapeDtypeStruct((G // 512, 1, 512), jnp.int32),
    )(dst)

    src = src3.reshape(G)

    xs = _sc_gather(x1, src)

    ys = pl.pallas_call(
        _ffn_body,
        grid_spec=pltpu.PrefetchScalarGridSpec(
            num_scalar_prefetch=1,
            grid=(NB,),
            in_specs=[
                pl.BlockSpec((BT, D), lambda b, be: (b, 0)),
                pl.BlockSpec((1, D, DFF), lambda b, be: (be[b], 0, 0)),
                pl.BlockSpec((1, 1, DFF), lambda b, be: (be[b], 0, 0)),
                pl.BlockSpec((1, DFF, D), lambda b, be: (be[b], 0, 0)),
                pl.BlockSpec((1, 1, D), lambda b, be: (be[b], 0, 0)),
            ],
            out_specs=pl.BlockSpec((BT, D), lambda b, be: (b, 0)),
        ),
        out_shape=jax.ShapeDtypeStruct((NB * BT, D), f32),
    )(bexp.reshape(128)[:NB], xs, eW1, eb1.reshape(E, 1, DFF),
      eW2, eb2.reshape(E, 1, D))

    moe = _sc_gather(ys, dst.reshape(S))

    out = pl.pallas_call(
        _ln_body,
        grid=(S // 512,),
        in_specs=[
            pl.BlockSpec((512, D), lambda i: (i, 0)),
            pl.BlockSpec((512, D), lambda i: (i, 0)),
            pl.BlockSpec((1, D), lambda i: (0, 0)),
            pl.BlockSpec((1, D), lambda i: (0, 0)),
        ],
        out_specs=pl.BlockSpec((512, D), lambda i: (i, 0)),
        out_shape=jax.ShapeDtypeStruct((S, D), f32),
    )(x1, moe, ln3_g.reshape(1, D), ln3_b.reshape(1, D))

    return out.reshape(1, S, D)

# --- scband reference (transcript-rebuilt; emitter-appended) ---
"""Pipeline reference for scband-transformer-block-10514079941222 (READ-ONLY COPY).

The authoritative reference and input builder live on the scoring server;
editing this copy changes nothing except your own understanding.
"""

import jax, jax.numpy as jnp
import numpy as np

B, S, D, H, E, DFF, TOPK = 1, 2048, 768, 12, 8, 1536, 1


def setup_inputs(seed: int = 0) -> dict:
    key = jax.random.key(seed)
    ks = jax.random.split(key, 12)
    sc = 0.02
    inp = {}
    inp['x'] = jax.random.normal(ks[0], (B, S, D), dtype=jnp.float32)
    inp['Wq'] = jax.random.normal(ks[1], (D, D), dtype=jnp.float32) * sc
    inp['bq'] = jnp.zeros((D,), jnp.float32)
    inp['Wk'] = jax.random.normal(ks[2], (D, D), dtype=jnp.float32) * sc
    inp['bk'] = jnp.zeros((D,), jnp.float32)
    inp['Wv'] = jax.random.normal(ks[3], (D, D), dtype=jnp.float32) * sc
    inp['bv'] = jnp.zeros((D,), jnp.float32)
    inp['Wo'] = jax.random.normal(ks[4], (D, D), dtype=jnp.float32) * sc
    inp['bo'] = jnp.zeros((D,), jnp.float32)
    inp['ln1_g'] = jnp.ones((D,), jnp.float32)
    inp['ln1_b'] = jnp.zeros((D,), jnp.float32)
    inp['gate_W'] = jax.random.normal(ks[5], (D, E), dtype=jnp.float32) * sc
    inp['gate_b'] = jnp.zeros((E,), jnp.float32)
    inp['eW1'] = jax.random.normal(ks[6], (E, D, DFF), dtype=jnp.float32) * sc
    inp['eb1'] = jnp.zeros((E, DFF), jnp.float32)
    inp['eW2'] = jax.random.normal(ks[7], (E, DFF, D), dtype=jnp.float32) * sc
    inp['eb2'] = jnp.zeros((E, D), jnp.float32)
    inp['ln3_g'] = jnp.ones((D,), jnp.float32)
    inp['ln3_b'] = jnp.zeros((D,), jnp.float32)
    return inp


def _layer_norm(x, g, b):
    m = jnp.mean(x, axis=-1, keepdims=True)
    v = jnp.mean((x - m) ** 2, axis=-1, keepdims=True)
    return (x - m) / jnp.sqrt(v + 1e-5) * g + b


def _mha(x, Wq, bq, Wk, bk, Wv, bv, Wo, bo):
    b_, s_, d_ = x.shape
    dk = d_ // H
    q = (x @ Wq + bq).reshape(b_, s_, H, dk).transpose(0, 2, 1, 3)
    k = (x @ Wk + bk).reshape(b_, s_, H, dk).transpose(0, 2, 1, 3)
    v = (x @ Wv + bv).reshape(b_, s_, H, dk).transpose(0, 2, 1, 3)
    scores = jnp.einsum('bhqd,bhkd->bhqk', q, k) / np.sqrt(dk).astype(np.float32)
    attn = jax.nn.softmax(scores, axis=-1)
    out = jnp.einsum('bhqk,bhkd->bhqd', attn, v)
    out = out.transpose(0, 2, 1, 3).reshape(b_, s_, d_)
    return out @ Wo + bo


def _moe(x, gate_W, gate_b, eW1, eb1, eW2, eb2):
    b_, s_, d_ = x.shape
    gate_scores = x @ gate_W + gate_b
    tk_sc, tk_idx = jax.lax.top_k(gate_scores, TOPK)
    tk_p = jax.nn.softmax(tk_sc, axis=-1)
    xf = x.reshape(-1, d_)
    idxf = tk_idx.reshape(-1, TOPK)
    pf = tk_p.reshape(-1, TOPK)
    out = jnp.zeros_like(xf)
    for kk in range(TOPK):
        e_idx = idxf[:, kk]
        e_sc = pf[:, kk]
        for e in range(E):
            mask = (e_idx == e).astype(xf.dtype)
            h = xf @ eW1[e] + eb1[e]
            if e % 2 == 0:
                h = jax.nn.gelu(h, approximate=False)
            else:
                h = jax.nn.silu(h)
            eo = h @ eW2[e] + eb2[e]
            out = out + (mask * e_sc)[:, None] * eo
    return out.reshape(b_, s_, d_)


def reference(x, Wq, bq, Wk, bk, Wv, bv, Wo, bo, ln1_g, ln1_b, gate_W, gate_b, eW1, eb1, eW2, eb2, ln3_g, ln3_b):
    attn_out = _mha(x, Wq, bq, Wk, bk, Wv, bv, Wo, bo)
    x1 = _layer_norm(x + attn_out, ln1_g, ln1_b)
    moe_out = _moe(x1, gate_W, gate_b, eW1, eb1, eW2, eb2)
    return _layer_norm(x1 + moe_out, ln3_g, ln3_b)

if __name__ == "__main__":
    import jax
    _d = setup_inputs()
    print(jax.jit(kernel)(*tuple(_d.values())))

</pallas_src>

<mosaic_0001>
#map = affine_map<(d0, d1) -> (0, 0)>
#map1 = affine_map<(d0, d1) -> (0, 0, 0)>
module attributes {stable_mosaic.version = 14 : i64} {
  func.func @k(%arg0: i32, %arg1: i32, %arg2: memref<2048x768xf32, #tpu.memory_space<hbm>>, %arg3: memref<32x4x24xi32, #tpu.memory_space<hbm>>, %arg4: memref<3072x768xf32, #tpu.memory_space<hbm>>, %arg5: memref<4x24xi32, #tpu.memory_space<vmem>>, %arg6: memref<96x768xf32, #tpu.memory_space<vmem>>, %arg7: memref<4x!tpu.dma_semaphore, #tpu.memory_space<semaphore_mem>>, %arg8: memref<4x!tpu.dma_semaphore, #tpu.memory_space<semaphore_mem>>) attributes {dimension_semantics = [#tpu.dimension_semantics<core_parallel>, #tpu.dimension_semantics<subcore_parallel>], iteration_bounds = array<i64: 2, 16>, scalar_prefetch = 0 : i64, scratch_operands = 4 : i64, tpu.core_type = #tpu.core_type<sc_vector_subcore>, window_params = [{transform_indices = #map}, {transform_indices = #map1}, {transform_indices = #map}]} {
    %mul3A = arith.constant 2 : i32
    %mul3A_0 = arith.muli %arg1, %mul3A : i32
    %add3A = arith.addi %mul3A_0, %arg0 : i32
    %mul3A_1 = arith.constant 96 : i32
    %mul3A_2 = arith.muli %add3A, %mul3A_1 : i32
    "tpu.region"() ({
      %run_scoped3A = tpu.sem_alloc : memref<!tpu.dma_semaphore, #tpu.memory_space<semaphore_mem>>
      %dma_start3A_217 = arith.constant 0 : i32
      %dma_start3A_218 = arith.constant 0 : i32
      %dma_start3A_219 = tpu.memref_slice %arg3[%add3A, %dma_start3A_217, %dma_start3A_218] : memref<32x4x24xi32, #tpu.memory_space<hbm>> -> memref<1x4x24xi32, #tpu.memory_space<hbm>>
      %dma_start3A_220 = tpu.memref_squeeze %dma_start3A_219 : memref<1x4x24xi32, #tpu.memory_space<hbm>> -> memref<4x24xi32, #tpu.memory_space<hbm>>
      %dma_start3A_221 = arith.constant 0 : i32
      %dma_start3A_222 = arith.constant 0 : i32
      %dma_start3A_223 = tpu.memref_slice %arg3[%add3A, %dma_start3A_221, %dma_start3A_222] : memref<32x4x24xi32, #tpu.memory_space<hbm>> -> memref<1x4x24xi32, #tpu.memory_space<hbm>>
      %dma_start3A_224 = tpu.memref_squeeze %dma_start3A_223 : memref<1x4x24xi32, #tpu.memory_space<hbm>> -> memref<4x24xi32, #tpu.memory_space<hbm>>
      tpu.enqueue_dma source(%dma_start3A_224 : memref<4x24xi32, #tpu.memory_space<hbm>>) target(%arg5 : memref<4x24xi32, #tpu.memory_space<vmem>>) target_semaphore(%run_scoped3A : memref<!tpu.dma_semaphore, #tpu.memory_space<semaphore_mem>>)
      %dma_wait3A_225 = arith.constant 0 : i32
      %dma_wait3A_226 = arith.constant 0 : i32
      %dma_wait3A_227 = tpu.memref_slice %arg3[%add3A, %dma_wait3A_225, %dma_wait3A_226] : memref<32x4x24xi32, #tpu.memory_space<hbm>> -> memref<1x4x24xi32, #tpu.memory_space<hbm>>
      %dma_wait3A_228 = tpu.memref_squeeze %dma_wait3A_227 : memref<1x4x24xi32, #tpu.memory_space<hbm>> -> memref<4x24xi32, #tpu.memory_space<hbm>>
      %dma_wait3A_229 = arith.constant 0 : i32
      %dma_wait3A_230 = arith.constant 0 : i32
      %dma_wait3A_231 = tpu.memref_slice %arg3[%add3A, %dma_wait3A_229, %dma_wait3A_230] : memref<32x4x24xi32, #tpu.memory_space<hbm>> -> memref<1x4x24xi32, #tpu.memory_space<hbm>>
      %dma_wait3A_232 = tpu.memref_squeeze %dma_wait3A_231 : memref<1x4x24xi32, #tpu.memory_space<hbm>> -> memref<4x24xi32, #tpu.memory_space<hbm>>
      tpu.wait_dma2 semaphore(%run_scoped3A : memref<!tpu.dma_semaphore, #tpu.memory_space<semaphore_mem>>) src(%dma_wait3A_232 : memref<4x24xi32, #tpu.memory_space<hbm>>) dst(%arg5 : memref<4x24xi32, #tpu.memory_space<vmem>>)
      tpu.yield
    }) : () -> ()
    %dma_start3A = arith.constant 0 : i32
    %dma_start3A_3 = arith.constant 0 : i32
    %dma_start3A_4 = arith.constant 0 : i32
    %dma_start3A_5 = arith.constant 0 : i32
    %dma_start3A_6 = tpu.memref_slice %arg6[%dma_start3A_4, %dma_start3A_5] : memref<96x768xf32, #tpu.memory_space<vmem>> -> memref<24x768xf32, #tpu.memory_space<vmem>>
    %dma_start3A_7 = arith.constant 0 : i32
    %dma_start3A_8 = tpu.memref_slice %arg5[%dma_start3A, %dma_start3A_7] : memref<4x24xi32, #tpu.memory_space<vmem>> -> memref<1x24xi32, #tpu.memory_space<vmem>>
    %dma_start3A_9 = tpu.memref_squeeze %dma_start3A_8 : memref<1x24xi32, #tpu.memory_space<vmem>> -> memref<24xi32, #tpu.memory_space<vmem>>
    %dma_start3A_10 = arith.constant 0 : i32
    %dma_start3A_11 = arith.constant 0 : i32
    %dma_start3A_12 = tpu.memref_slice %arg2[%dma_start3A_10, %dma_start3A_11] : memref<2048x768xf32, #tpu.memory_space<hbm>> -> memref<2048x768xf32, #tpu.memory_space<hbm>>
    %dma_start3A_13 = tpu.memref_slice %arg7[%dma_start3A_3] : memref<4x!tpu.dma_semaphore, #tpu.memory_space<semaphore_mem>> -> memref<1x!tpu.dma_semaphore, #tpu.memory_space<semaphore_mem>>
    %dma_start3A_14 = tpu.memref_squeeze %dma_start3A_13 : memref<1x!tpu.dma_semaphore, #tpu.memory_space<semaphore_mem>> -> memref<!tpu.dma_semaphore, #tpu.memory_space<semaphore_mem>>
    tpu.enqueue_indirect_dma source(%dma_start3A_12 : memref<2048x768xf32, #tpu.memory_space<hbm>>) target(%dma_start3A_6 : memref<24x768xf32, #tpu.memory_space<vmem>>) offsets(%dma_start3A_9 : memref<24xi32, #tpu.memory_space<vmem>>) semaphore(%dma_start3A_14 : memref<!tpu.dma_semaphore, #tpu.memory_space<semaphore_mem>>)
    %dma_start3A_15 = arith.constant 1 : i32
    %dma_start3A_16 = arith.constant 1 : i32
    %dma_start3A_17 = arith.constant 24 : i32
    %dma_start3A_18 = arith.constant 0 : i32
    %dma_start3A_19 = tpu.memref_slice %arg6[%dma_start3A_17, %dma_start3A_18] : memref<96x768xf32, #tpu.memory_space<vmem>> -> memref<24x768xf32, #tpu.memory_space<vmem>>
    %dma_start3A_20 = arith.constant 0 : i32
    %dma_start3A_21 = tpu.memref_slice %arg5[%dma_start3A_15, %dma_start3A_20] : memref<4x24xi32, #tpu.memory_space<vmem>> -> memref<1x24xi32, #tpu.memory_space<vmem>>
    %dma_start3A_22 = tpu.memref_squeeze %dma_start3A_21 : memref<1x24xi32, #tpu.memory_space<vmem>> -> memref<24xi32, #tpu.memory_space<vmem>>
    %dma_start3A_23 = arith.constant 0 : i32
    %dma_start3A_24 = arith.constant 0 : i32
    %dma_start3A_25 = tpu.memref_slice %arg2[%dma_start3A_23, %dma_start3A_24] : memref<2048x768xf32, #tpu.memory_space<hbm>> -> memref<2048x768xf32, #tpu.memory_space<hbm>>
    %dma_start3A_26 = tpu.memref_slice %arg7[%dma_start3A_16] : memref<4x!tpu.dma_semaphore, #tpu.memory_space<semaphore_mem>> -> memref<1x!tpu.dma_semaphore, #tpu.memory_space<semaphore_mem>>
    %dma_start3A_27 = tpu.memref_squeeze %dma_start3A_26 : memref<1x!tpu.dma_semaphore, #tpu.memory_space<semaphore_mem>> -> memref<!tpu.dma_semaphore, #tpu.memory_space<semaphore_mem>>
    tpu.enqueue_indirect_dma source(%dma_start3A_25 : memref<2048x768xf32, #tpu.memory_space<hbm>>) target(%dma_start3A_19 : memref<24x768xf32, #tpu.memory_space<vmem>>) offsets(%dma_start3A_22 : memref<24xi32, #tpu.memory_space<vmem>>) semaphore(%dma_start3A_27 : memref<!tpu.dma_semaphore, #tpu.memory_space<semaphore_mem>>)
    %dma_start3A_28 = arith.constant 2 : i32
    %dma_start3A_29 = arith.constant 2 : i32
    %dma_start3A_30 = arith.constant 48 : i32
    %dma_start3A_31 = arith.constant 0 : i32
    %dma_start3A_32 = tpu.memref_slice %arg6[%dma_start3A_30, %dma_start3A_31] : memref<96x768xf32, #tpu.memory_space<vmem>> -> memref<24x768xf32, #tpu.memory_space<vmem>>
    %dma_start3A_33 = arith.constant 0 : i32
    %dma_start3A_34 = tpu.memref_slice %arg5[%dma_start3A_28, %dma_start3A_33] : memref<4x24xi32, #tpu.memory_space<vmem>> -> memref<1x24xi32, #tpu.memory_space<vmem>>
    %dma_start3A_35 = tpu.memref_squeeze %dma_start3A_34 : memref<1x24xi32, #tpu.memory_space<vmem>> -> memref<24xi32, #tpu.memory_space<vmem>>
    %dma_start3A_36 = arith.constant 0 : i32
    %dma_start3A_37 = arith.constant 0 : i32
    %dma_start3A_38 = tpu.memref_slice %arg2[%dma_start3A_36, %dma_start3A_37] : memref<2048x768xf32, #tpu.memory_space<hbm>> -> memref<2048x768xf32, #tpu.memory_space<hbm>>
    %dma_start3A_39 = tpu.memref_slice %arg7[%dma_start3A_29] : memref<4x!tpu.dma_semaphore, #tpu.memory_space<semaphore_mem>> -> memref<1x!tpu.dma_semaphore, #tpu.memory_space<semaphore_mem>>
    %dma_start3A_40 = tpu.memref_squeeze %dma_start3A_39 : memref<1x!tpu.dma_semaphore, #tpu.memory_space<semaphore_mem>> -> memref<!tpu.dma_semaphore, #tpu.memory_space<semaphore_mem>>
    tpu.enqueue_indirect_dma source(%dma_start3A_38 : memref<2048x768xf32, #tpu.memory_space<hbm>>) target(%dma_start3A_32 : memref<24x768xf32, #tpu.memory_space<vmem>>) offsets(%dma_start3A_35 : memref<24xi32, #tpu.memory_space<vmem>>) semaphore(%dma_start3A_40 : memref<!tpu.dma_semaphore, #tpu.memory_space<semaphore_mem>>)
    %dma_start3A_41 = arith.constant 3 : i32
    %dma_start3A_42 = arith.constant 3 : i32
    %dma_start3A_43 = arith.constant 72 : i32
    %dma_start3A_44 = arith.constant 0 : i32
    %dma_start3A_45 = tpu.memref_slice %arg6[%dma_start3A_43, %dma_start3A_44] : memref<96x768xf32, #tpu.memory_space<vmem>> -> memref<24x768xf32, #tpu.memory_space<vmem>>
    %dma_start3A_46 = arith.constant 0 : i32
    %dma_start3A_47 = tpu.memref_slice %arg5[%dma_start3A_41, %dma_start3A_46] : memref<4x24xi32, #tpu.memory_space<vmem>> -> memref<1x24xi32, #tpu.memory_space<vmem>>
    %dma_start3A_48 = tpu.memref_squeeze %dma_start3A_47 : memref<1x24xi32, #tpu.memory_space<vmem>> -> memref<24xi32, #tpu.memory_space<vmem>>
    %dma_start3A_49 = arith.constant 0 : i32
    %dma_start3A_50 = arith.constant 0 : i32
    %dma_start3A_51 = tpu.memref_slice %arg2[%dma_start3A_49, %dma_start3A_50] : memref<2048x768xf32, #tpu.memory_space<hbm>> -> memref<2048x768xf32, #tpu.memory_space<hbm>>
    %dma_start3A_52 = tpu.memref_slice %arg7[%dma_start3A_42] : memref<4x!tpu.dma_semaphore, #tpu.memory_space<semaphore_mem>> -> memref<1x!tpu.dma_semaphore, #tpu.memory_space<semaphore_mem>>
    %dma_start3A_53 = tpu.memref_squeeze %dma_start3A_52 : memref<1x!tpu.dma_semaphore, #tpu.memory_space<semaphore_mem>> -> memref<!tpu.dma_semaphore, #tpu.memory_space<semaphore_mem>>
    tpu.enqueue_indirect_dma source(%dma_start3A_51 : memref<2048x768xf32, #tpu.memory_space<hbm>>) target(%dma_start3A_45 : memref<24x768xf32, #tpu.memory_space<vmem>>) offsets(%dma_start3A_48 : memref<24xi32, #tpu.memory_space<vmem>>) semaphore(%dma_start3A_53 : memref<!tpu.dma_semaphore, #tpu.memory_space<semaphore_mem>>)
    %dma_wait3A = arith.constant 0 : i32
    %dma_wait3A_54 = arith.constant 0 : i32
    %dma_wait3A_55 = arith.constant 0 : i32
    %dma_wait3A_56 = arith.constant 0 : i32
    %dma_wait3A_57 = tpu.memref_slice %arg6[%dma_wait3A_55, %dma_wait3A_56] : memref<96x768xf32, #tpu.memory_space<vmem>> -> memref<24x768xf32, #tpu.memory_space<vmem>>
    %dma_wait3A_58 = arith.constant 0 : i32
    %dma_wait3A_59 = tpu.memref_slice %arg5[%dma_wait3A, %dma_wait3A_58] : memref<4x24xi32, #tpu.memory_space<vmem>> -> memref<1x24xi32, #tpu.memory_space<vmem>>
    %dma_wait3A_60 = tpu.memref_squeeze %dma_wait3A_59 : memref<1x24xi32, #tpu.memory_space<vmem>> -> memref<24xi32, #tpu.memory_space<vmem>>
    %dma_wait3A_61 = arith.constant 0 : i32
    %dma_wait3A_62 = arith.constant 0 : i32
    %dma_wait3A_63 = tpu.memref_slice %arg2[%dma_wait3A_61, %dma_wait3A_62] : memref<2048x768xf32, #tpu.memory_space<hbm>> -> memref<2048x768xf32, #tpu.memory_space<hbm>>
    %dma_wait3A_64 = tpu.memref_slice %arg7[%dma_wait3A_54] : memref<4x!tpu.dma_semaphore, #tpu.memory_space<semaphore_mem>> -> memref<1x!tpu.dma_semaphore, #tpu.memory_space<semaphore_mem>>
    %dma_wait3A_65 = tpu.memref_squeeze %dma_wait3A_64 : memref<1x!tpu.dma_semaphore, #tpu.memory_space<semaphore_mem>> -> memref<!tpu.dma_semaphore, #tpu.memory_space<semaphore_mem>>
    tpu.wait_indirect_dma semaphore(%dma_wait3A_65 : memref<!tpu.dma_semaphore, #tpu.memory_space<semaphore_mem>>) src(%dma_wait3A_63 : memref<2048x768xf32, #tpu.memory_space<hbm>>) dst(%dma_wait3A_57 : memref<24x768xf32, #tpu.memory_space<vmem>>)
    %add3A_66 = arith.constant 0 : i32
    %add3A_67 = arith.addi %mul3A_2, %add3A_66 : i32
    %dma_start3A_68 = arith.constant 0 : i32
    %dma_start3A_69 = arith.constant 0 : i32
    %dma_start3A_70 = arith.constant 0 : i32
    %dma_start3A_71 = tpu.memref_slice %arg6[%dma_start3A_69, %dma_start3A_70] : memref<96x768xf32, #tpu.memory_space<vmem>> -> memref<24x768xf32, #tpu.memory_space<vmem>>
    %dma_start3A_72 = arith.constant 0 : i32
    %dma_start3A_73 = tpu.memref_slice %arg4[%add3A_67, %dma_start3A_72] : memref<3072x768xf32, #tpu.memory_space<hbm>> -> memref<24x768xf32, #tpu.memory_space<hbm>>
    %dma_start3A_74 = tpu.memref_slice %arg8[%dma_start3A_68] : memref<4x!tpu.dma_semaphore, #tpu.memory_space<semaphore_mem>> -> memref<1x!tpu.dma_semaphore, #tpu.memory_space<semaphore_mem>>
    %dma_start3A_75 = tpu.memref_squeeze %dma_start3A_74 : memref<1x!tpu.dma_semaphore, #tpu.memory_space<semaphore_mem>> -> memref<!tpu.dma_semaphore, #tpu.memory_space<semaphore_mem>>
    %dma_start3A_76 = arith.constant 0 : i32
    %dma_start3A_77 = tpu.memref_slice %arg4[%add3A_67, %dma_start3A_76] : memref<3072x768xf32, #tpu.memory_space<hbm>> -> memref<24x768xf32, #tpu.memory_space<hbm>>
    %dma_start3A_78 = arith.constant 0 : i32
    %dma_start3A_79 = arith.constant 0 : i32
    %dma_start3A_80 = tpu.memref_slice %arg6[%dma_start3A_78, %dma_start3A_79] : memref<96x768xf32, #tpu.memory_space<vmem>> -> memref<24x768xf32, #tpu.memory_space<vmem>>
    tpu.enqueue_dma source(%dma_start3A_80 : memref<24x768xf32, #tpu.memory_space<vmem>>) target(%dma_start3A_77 : memref<24x768xf32, #tpu.memory_space<hbm>>) target_semaphore(%dma_start3A_75 : memref<!tpu.dma_semaphore, #tpu.memory_space<semaphore_mem>>)
    %dma_wait3A_81 = arith.constant 1 : i32
    %dma_wait3A_82 = arith.constant 1 : i32
    %dma_wait3A_83 = arith.constant 24 : i32
    %dma_wait3A_84 = arith.constant 0 : i32
    %dma_wait3A_85 = tpu.memref_slice %arg6[%dma_wait3A_83, %dma_wait3A_84] : memref<96x768xf32, #tpu.memory_space<vmem>> -> memref<24x768xf32, #tpu.memory_space<vmem>>
    %dma_wait3A_86 = arith.constant 0 : i32
    %dma_wait3A_87 = tpu.memref_slice %arg5[%dma_wait3A_81, %dma_wait3A_86] : memref<4x24xi32, #tpu.memory_space<vmem>> -> memref<1x24xi32, #tpu.memory_space<vmem>>
    %dma_wait3A_88 = tpu.memref_squeeze %dma_wait3A_87 : memref<1x24xi32, #tpu.memory_space<vmem>> -> memref<24xi32, #tpu.memory_space<vmem>>
    %dma_wait3A_89 = arith.constant 0 : i32
    %dma_wait3A_90 = arith.constant 0 : i32
    %dma_wait3A_91 = tpu.memref_slice %arg2[%dma_wait3A_89, %dma_wait3A_90] : memref<2048x768xf32, #tpu.memory_space<hbm>> -> memref<2048x768xf32, #tpu.memory_space<hbm>>
    %dma_wait3A_92 = tpu.memref_slice %arg7[%dma_wait3A_82] : memref<4x!tpu.dma_semaphore, #tpu.memory_space<semaphore_mem>> -> memref<1x!tpu.dma_semaphore, #tpu.memory_space<semaphore_mem>>
    %dma_wait3A_93 = tpu.memref_squeeze %dma_wait3A_92 : memref<1x!tpu.dma_semaphore, #tpu.memory_space<semaphore_mem>> -> memref<!tpu.dma_semaphore, #tpu.memory_space<semaphore_mem>>
    tpu.wait_indirect_dma semaphore(%dma_wait3A_93 : memref<!tpu.dma_semaphore, #tpu.memory_space<semaphore_mem>>) src(%dma_wait3A_91 : memref<2048x768xf32, #tpu.memory_space<hbm>>) dst(%dma_wait3A_85 : memref<24x768xf32, #tpu.memory_space<vmem>>)
    %add3A_94 = arith.constant 24 : i32
    %add3A_95 = arith.addi %mul3A_2, %add3A_94 : i32
    %dma_start3A_96 = arith.constant 1 : i32
    %dma_start3A_97 = arith.constant 24 : i32
    %dma_start3A_98 = arith.constant 0 : i32
    %dma_start3A_99 = tpu.memref_slice %arg6[%dma_start3A_97, %dma_start3A_98] : memref<96x768xf32, #tpu.memory_space<vmem>> -> memref<24x768xf32, #tpu.memory_space<vmem>>
    %dma_start3A_100 = arith.constant 0 : i32
    %dma_start3A_101 = tpu.memref_slice %arg4[%add3A_95, %dma_start3A_100] : memref<3072x768xf32, #tpu.memory_space<hbm>> -> memref<24x768xf32, #tpu.memory_space<hbm>>
    %dma_start3A_102 = tpu.memref_slice %arg8[%dma_start3A_96] : memref<4x!tpu.dma_semaphore, #tpu.memory_space<semaphore_mem>> -> memref<1x!tpu.dma_semaphore, #tpu.memory_space<semaphore_mem>>
    %dma_start3A_103 = tpu.memref_squeeze %dma_start3A_102 : memref<1x!tpu.dma_semaphore, #tpu.memory_space<semaphore_mem>> -> memref<!tpu.dma_semaphore, #tpu.memory_space<semaphore_mem>>
    %dma_start3A_104 = arith.constant 0 : i32
    %dma_start3A_105 = tpu.memref_slice %arg4[%add3A_95, %dma_start3A_104] : memref<3072x768xf32, #tpu.memory_space<hbm>> -> memref<24x768xf32, #tpu.memory_space<hbm>>
    %dma_start3A_106 = arith.constant 24 : i32
    %dma_start3A_107 = arith.constant 0 : i32
    %dma_start3A_108 = tpu.memref_slice %arg6[%dma_start3A_106, %dma_start3A_107] : memref<96x768xf32, #tpu.memory_space<vmem>> -> memref<24x768xf32, #tpu.memory_space<vmem>>
    tpu.enqueue_dma source(%dma_start3A_108 : memref<24x768xf32, #tpu.memory_space<vmem>>) target(%dma_start3A_105 : memref<24x768xf32, #tpu.memory_space<hbm>>) target_semaphore(%dma_start3A_103 : memref<!tpu.dma_semaphore, #tpu.memory_space<semaphore_mem>>)
    %dma_wait3A_109 = arith.constant 2 : i32
    %dma_wait3A_110 = arith.constant 2 : i32
    %dma_wait3A_111 = arith.constant 48 : i32
    %dma_wait3A_112 = arith.constant 0 : i32
    %dma_wait3A_113 = tpu.memref_slice %arg6[%dma_wait3A_111, %dma_wait3A_112] : memref<96x768xf32, #tpu.memory_space<vmem>> -> memref<24x768xf32, #tpu.memory_space<vmem>>
    %dma_wait3A_114 = arith.constant 0 : i32
    %dma_wait3A_115 = tpu.memref_slice %arg5[%dma_wait3A_109, %dma_wait3A_114] : memref<4x24xi32, #tpu.memory_space<vmem>> -> memref<1x24xi32, #tpu.memory_space<vmem>>
    %dma_wait3A_116 = tpu.memref_squeeze %dma_wait3A_115 : memref<1x24xi32, #tpu.memory_space<vmem>> -> memref<24xi32, #tpu.memory_space<vmem>>
    %dma_wait3A_117 = arith.constant 0 : i32
    %dma_wait3A_118 = arith.constant 0 : i32
    %dma_wait3A_119 = tpu.memref_slice %arg2[%dma_wait3A_117, %dma_wait3A_118] : memref<2048x768xf32, #tpu.memory_space<hbm>> -> memref<2048x768xf32, #tpu.memory_space<hbm>>
    %dma_wait3A_120 = tpu.memref_slice %arg7[%dma_wait3A_110] : memref<4x!tpu.dma_semaphore, #tpu.memory_space<semaphore_mem>> -> memref<1x!tpu.dma_semaphore, #tpu.memory_space<semaphore_mem>>
    %dma_wait3A_121 = tpu.memref_squeeze %dma_wait3A_120 : memref<1x!tpu.dma_semaphore, #tpu.memory_space<semaphore_mem>> -> memref<!tpu.dma_semaphore, #tpu.memory_space<semaphore_mem>>
    tpu.wait_indirect_dma semaphore(%dma_wait3A_121 : memref<!tpu.dma_semaphore, #tpu.memory_space<semaphore_mem>>) src(%dma_wait3A_119 : memref<2048x768xf32, #tpu.memory_space<hbm>>) dst(%dma_wait3A_113 : memref<24x768xf32, #tpu.memory_space<vmem>>)
    %add3A_122 = arith.constant 48 : i32
    %add3A_123 = arith.addi %mul3A_2, %add3A_122 : i32
    %dma_start3A_124 = arith.constant 2 : i32
    %dma_start3A_125 = arith.constant 48 : i32
    %dma_start3A_126 = arith.constant 0 : i32
    %dma_start3A_127 = tpu.memref_slice %arg6[%dma_start3A_125, %dma_start3A_126] : memref<96x768xf32, #tpu.memory_space<vmem>> -> memref<24x768xf32, #tpu.memory_space<vmem>>
    %dma_start3A_128 = arith.constant 0 : i32
    %dma_start3A_129 = tpu.memref_slice %arg4[%add3A_123, %dma_start3A_128] : memref<3072x768xf32, #tpu.memory_space<hbm>> -> memref<24x768xf32, #tpu.memory_space<hbm>>
    %dma_start3A_130 = tpu.memref_slice %arg8[%dma_start3A_124] : memref<4x!tpu.dma_semaphore, #tpu.memory_space<semaphore_mem>> -> memref<1x!tpu.dma_semaphore, #tpu.memory_space<semaphore_mem>>
    %dma_start3A_131 = tpu.memref_squeeze %dma_start3A_130 : memref<1x!tpu.dma_semaphore, #tpu.memory_space<semaphore_mem>> -> memref<!tpu.dma_semaphore, #tpu.memory_space<semaphore_mem>>
    %dma_start3A_132 = arith.constant 0 : i32
    %dma_start3A_133 = tpu.memref_slice %arg4[%add3A_123, %dma_start3A_132] : memref<3072x768xf32, #tpu.memory_space<hbm>> -> memref<24x768xf32, #tpu.memory_space<hbm>>
    %dma_start3A_134 = arith.constant 48 : i32
    %dma_start3A_135 = arith.constant 0 : i32
    %dma_start3A_136 = tpu.memref_slice %arg6[%dma_start3A_134, %dma_start3A_135] : memref<96x768xf32, #tpu.memory_space<vmem>> -> memref<24x768xf32, #tpu.memory_space<vmem>>
    tpu.enqueue_dma source(%dma_start3A_136 : memref<24x768xf32, #tpu.memory_space<vmem>>) target(%dma_start3A_133 : memref<24x768xf32, #tpu.memory_space<hbm>>) target_semaphore(%dma_start3A_131 : memref<!tpu.dma_semaphore, #tpu.memory_space<semaphore_mem>>)
    %dma_wait3A_137 = arith.constant 3 : i32
    %dma_wait3A_138 = arith.constant 3 : i32
    %dma_wait3A_139 = arith.constant 72 : i32
    %dma_wait3A_140 = arith.constant 0 : i32
    %dma_wait3A_141 = tpu.memref_slice %arg6[%dma_wait3A_139, %dma_wait3A_140] : memref<96x768xf32, #tpu.memory_space<vmem>> -> memref<24x768xf32, #tpu.memory_space<vmem>>
    %dma_wait3A_142 = arith.constant 0 : i32
    %dma_wait3A_143 = tpu.memref_slice %arg5[%dma_wait3A_137, %dma_wait3A_142] : memref<4x24xi32, #tpu.memory_space<vmem>> -> memref<1x24xi32, #tpu.memory_space<vmem>>
    %dma_wait3A_144 = tpu.memref_squeeze %dma_wait3A_143 : memref<1x24xi32, #tpu.memory_space<vmem>> -> memref<24xi32, #tpu.memory_space<vmem>>
    %dma_wait3A_145 = arith.constant 0 : i32
    %dma_wait3A_146 = arith.constant 0 : i32
    %dma_wait3A_147 = tpu.memref_slice %arg2[%dma_wait3A_145, %dma_wait3A_146] : memref<2048x768xf32, #tpu.memory_space<hbm>> -> memref<2048x768xf32, #tpu.memory_space<hbm>>
    %dma_wait3A_148 = tpu.memref_slice %arg7[%dma_wait3A_138] : memref<4x!tpu.dma_semaphore, #tpu.memory_space<semaphore_mem>> -> memref<1x!tpu.dma_semaphore, #tpu.memory_space<semaphore_mem>>
    %dma_wait3A_149 = tpu.memref_squeeze %dma_wait3A_148 : memref<1x!tpu.dma_semaphore, #tpu.memory_space<semaphore_mem>> -> memref<!tpu.dma_semaphore, #tpu.memory_space<semaphore_mem>>
    tpu.wait_indirect_dma semaphore(%dma_wait3A_149 : memref<!tpu.dma_semaphore, #tpu.memory_space<semaphore_mem>>) src(%dma_wait3A_147 : memref<2048x768xf32, #tpu.memory_space<hbm>>) dst(%dma_wait3A_141 : memref<24x768xf32, #tpu.memory_space<vmem>>)
    %add3A_150 = arith.constant 72 : i32
    %add3A_151 = arith.addi %mul3A_2, %add3A_150 : i32
    %dma_start3A_152 = arith.constant 3 : i32
    %dma_start3A_153 = arith.constant 72 : i32
    %dma_start3A_154 = arith.constant 0 : i32
    %dma_start3A_155 = tpu.memref_slice %arg6[%dma_start3A_153, %dma_start3A_154] : memref<96x768xf32, #tpu.memory_space<vmem>> -> memref<24x768xf32, #tpu.memory_space<vmem>>
    %dma_start3A_156 = arith.constant 0 : i32
    %dma_start3A_157 = tpu.memref_slice %arg4[%add3A_151, %dma_start3A_156] : memref<3072x768xf32, #tpu.memory_space<hbm>> -> memref<24x768xf32, #tpu.memory_space<hbm>>
    %dma_start3A_158 = tpu.memref_slice %arg8[%dma_start3A_152] : memref<4x!tpu.dma_semaphore, #tpu.memory_space<semaphore_mem>> -> memref<1x!tpu.dma_semaphore, #tpu.memory_space<semaphore_mem>>
    %dma_start3A_159 = tpu.memref_squeeze %dma_start3A_158 : memref<1x!tpu.dma_semaphore, #tpu.memory_space<semaphore_mem>> -> memref<!tpu.dma_semaphore, #tpu.memory_space<semaphore_mem>>
    %dma_start3A_160 = arith.constant 0 : i32
    %dma_start3A_161 = tpu.memref_slice %arg4[%add3A_151, %dma_start3A_160] : memref<3072x768xf32, #tpu.memory_space<hbm>> -> memref<24x768xf32, #tpu.memory_space<hbm>>
    %dma_start3A_162 = arith.constant 72 : i32
    %dma_start3A_163 = arith.constant 0 : i32
    %dma_start3A_164 = tpu.memref_slice %arg6[%dma_start3A_162, %dma_start3A_163] : memref<96x768xf32, #tpu.memory_space<vmem>> -> memref<24x768xf32, #tpu.memory_space<vmem>>
    tpu.enqueue_dma source(%dma_start3A_164 : memref<24x768xf32, #tpu.memory_space<vmem>>) target(%dma_start3A_161 : memref<24x768xf32, #tpu.memory_space<hbm>>) target_semaphore(%dma_start3A_159 : memref<!tpu.dma_semaphore, #tpu.memory_space<semaphore_mem>>)
    %dma_wait3A_165 = arith.constant 0 : i32
    %dma_wait3A_166 = arith.constant 0 : i32
    %dma_wait3A_167 = arith.constant 0 : i32
    %dma_wait3A_168 = tpu.memref_slice %arg6[%dma_wait3A_166, %dma_wait3A_167] : memref<96x768xf32, #tpu.memory_space<vmem>> -> memref<24x768xf32, #tpu.memory_space<vmem>>
    %dma_wait3A_169 = arith.constant 0 : i32
    %dma_wait3A_170 = tpu.memref_slice %arg4[%add3A_67, %dma_wait3A_169] : memref<3072x768xf32, #tpu.memory_space<hbm>> -> memref<24x768xf32, #tpu.memory_space<hbm>>
    %dma_wait3A_171 = tpu.memref_slice %arg8[%dma_wait3A_165] : memref<4x!tpu.dma_semaphore, #tpu.memory_space<semaphore_mem>> -> memref<1x!tpu.dma_semaphore, #tpu.memory_space<semaphore_mem>>
    %dma_wait3A_172 = tpu.memref_squeeze %dma_wait3A_171 : memref<1x!tpu.dma_semaphore, #tpu.memory_space<semaphore_mem>> -> memref<!tpu.dma_semaphore, #tpu.memory_space<semaphore_mem>>
    %dma_wait3A_173 = arith.constant 0 : i32
    %dma_wait3A_174 = tpu.memref_slice %arg4[%add3A_67, %dma_wait3A_173] : memref<3072x768xf32, #tpu.memory_space<hbm>> -> memref<24x768xf32, #tpu.memory_space<hbm>>
    %dma_wait3A_175 = arith.constant 0 : i32
    %dma_wait3A_176 = arith.constant 0 : i32
    %dma_wait3A_177 = tpu.memref_slice %arg6[%dma_wait3A_175, %dma_wait3A_176] : memref<96x768xf32, #tpu.memory_space<vmem>> -> memref<24x768xf32, #tpu.memory_space<vmem>>
    tpu.wait_dma2 semaphore(%dma_wait3A_172 : memref<!tpu.dma_semaphore, #tpu.memory_space<semaphore_mem>>) src(%dma_wait3A_177 : memref<24x768xf32, #tpu.memory_space<vmem>>) dst(%dma_wait3A_174 : memref<24x768xf32, #tpu.memory_space<hbm>>)
    %dma_wait3A_178 = arith.constant 1 : i32
    %dma_wait3A_179 = arith.constant 24 : i32
    %dma_wait3A_180 = arith.constant 0 : i32
    %dma_wait3A_181 = tpu.memref_slice %arg6[%dma_wait3A_179, %dma_wait3A_180] : memref<96x768xf32, #tpu.memory_space<vmem>> -> memref<24x768xf32, #tpu.memory_space<vmem>>
    %dma_wait3A_182 = arith.constant 0 : i32
    %dma_wait3A_183 = tpu.memref_slice %arg4[%add3A_95, %dma_wait3A_182] : memref<3072x768xf32, #tpu.memory_space<hbm>> -> memref<24x768xf32, #tpu.memory_space<hbm>>
    %dma_wait3A_184 = tpu.memref_slice %arg8[%dma_wait3A_178] : memref<4x!tpu.dma_semaphore, #tpu.memory_space<semaphore_mem>> -> memref<1x!tpu.dma_semaphore, #tpu.memory_space<semaphore_mem>>
    %dma_wait3A_185 = tpu.memref_squeeze %dma_wait3A_184 : memref<1x!tpu.dma_semaphore, #tpu.memory_space<semaphore_mem>> -> memref<!tpu.dma_semaphore, #tpu.memory_space<semaphore_mem>>
    %dma_wait3A_186 = arith.constant 0 : i32
    %dma_wait3A_187 = tpu.memref_slice %arg4[%add3A_95, %dma_wait3A_186] : memref<3072x768xf32, #tpu.memory_space<hbm>> -> memref<24x768xf32, #tpu.memory_space<hbm>>
    %dma_wait3A_188 = arith.constant 24 : i32
    %dma_wait3A_189 = arith.constant 0 : i32
    %dma_wait3A_190 = tpu.memref_slice %arg6[%dma_wait3A_188, %dma_wait3A_189] : memref<96x768xf32, #tpu.memory_space<vmem>> -> memref<24x768xf32, #tpu.memory_space<vmem>>
    tpu.wait_dma2 semaphore(%dma_wait3A_185 : memref<!tpu.dma_semaphore, #tpu.memory_space<semaphore_mem>>) src(%dma_wait3A_190 : memref<24x768xf32, #tpu.memory_space<vmem>>) dst(%dma_wait3A_187 : memref<24x768xf32, #tpu.memory_space<hbm>>)
    %dma_wait3A_191 = arith.constant 2 : i32
    %dma_wait3A_192 = arith.constant 48 : i32
    %dma_wait3A_193 = arith.constant 0 : i32
    %dma_wait3A_194 = tpu.memref_slice %arg6[%dma_wait3A_192, %dma_wait3A_193] : memref<96x768xf32, #tpu.memory_space<vmem>> -> memref<24x768xf32, #tpu.memory_space<vmem>>
    %dma_wait3A_195 = arith.constant 0 : i32
    %dma_wait3A_196 = tpu.memref_slice %arg4[%add3A_123, %dma_wait3A_195] : memref<3072x768xf32, #tpu.memory_space<hbm>> -> memref<24x768xf32, #tpu.memory_space<hbm>>
    %dma_wait3A_197 = tpu.memref_slice %arg8[%dma_wait3A_191] : memref<4x!tpu.dma_semaphore, #tpu.memory_space<semaphore_mem>> -> memref<1x!tpu.dma_semaphore, #tpu.memory_space<semaphore_mem>>
    %dma_wait3A_198 = tpu.memref_squeeze %dma_wait3A_197 : memref<1x!tpu.dma_semaphore, #tpu.memory_space<semaphore_mem>> -> memref<!tpu.dma_semaphore, #tpu.memory_space<semaphore_mem>>
    %dma_wait3A_199 = arith.constant 0 : i32
    %dma_wait3A_200 = tpu.memref_slice %arg4[%add3A_123, %dma_wait3A_199] : memref<3072x768xf32, #tpu.memory_space<hbm>> -> memref<24x768xf32, #tpu.memory_space<hbm>>
    %dma_wait3A_201 = arith.constant 48 : i32
    %dma_wait3A_202 = arith.constant 0 : i32
    %dma_wait3A_203 = tpu.memref_slice %arg6[%dma_wait3A_201, %dma_wait3A_202] : memref<96x768xf32, #tpu.memory_space<vmem>> -> memref<24x768xf32, #tpu.memory_space<vmem>>
    tpu.wait_dma2 semaphore(%dma_wait3A_198 : memref<!tpu.dma_semaphore, #tpu.memory_space<semaphore_mem>>) src(%dma_wait3A_203 : memref<24x768xf32, #tpu.memory_space<vmem>>) dst(%dma_wait3A_200 : memref<24x768xf32, #tpu.memory_space<hbm>>)
    %dma_wait3A_204 = arith.constant 3 : i32
    %dma_wait3A_205 = arith.constant 72 : i32
    %dma_wait3A_206 = arith.constant 0 : i32
    %dma_wait3A_207 = tpu.memref_slice %arg6[%dma_wait3A_205, %dma_wait3A_206] : memref<96x768xf32, #tpu.memory_space<vmem>> -> memref<24x768xf32, #tpu.memory_space<vmem>>
    %dma_wait3A_208 = arith.constant 0 : i32
    %dma_wait3A_209 = tpu.memref_slice %arg4[%add3A_151, %dma_wait3A_208] : memref<3072x768xf32, #tpu.memory_space<hbm>> -> memref<24x768xf32, #tpu.memory_space<hbm>>
    %dma_wait3A_210 = tpu.memref_slice %arg8[%dma_wait3A_204] : memref<4x!tpu.dma_semaphore, #tpu.memory_space<semaphore_mem>> -> memref<1x!tpu.dma_semaphore, #tpu.memory_space<semaphore_mem>>
    %dma_wait3A_211 = tpu.memref_squeeze %dma_wait3A_210 : memref<1x!tpu.dma_semaphore, #tpu.memory_space<semaphore_mem>> -> memref<!tpu.dma_semaphore, #tpu.memory_space<semaphore_mem>>
    %dma_wait3A_212 = arith.constant 0 : i32
    %dma_wait3A_213 = tpu.memref_slice %arg4[%add3A_151, %dma_wait3A_212] : memref<3072x768xf32, #tpu.memory_space<hbm>> -> memref<24x768xf32, #tpu.memory_space<hbm>>
    %dma_wait3A_214 = arith.constant 72 : i32
    %dma_wait3A_215 = arith.constant 0 : i32
    %dma_wait3A_216 = tpu.memref_slice %arg6[%dma_wait3A_214, %dma_wait3A_215] : memref<96x768xf32, #tpu.memory_space<vmem>> -> memref<24x768xf32, #tpu.memory_space<vmem>>
    tpu.wait_dma2 semaphore(%dma_wait3A_211 : memref<!tpu.dma_semaphore, #tpu.memory_space<semaphore_mem>>) src(%dma_wait3A_216 : memref<24x768xf32, #tpu.memory_space<vmem>>) dst(%dma_wait3A_213 : memref<24x768xf32, #tpu.memory_space<hbm>>)
    return
  }
}

#map = affine_map<(d0, d1) -> (0, 0)>
#map1 = affine_map<(d0, d1) -> (0, 0, 0)>
module attributes {stable_mosaic.version = 14 : i64} {
  func.func @k(%arg0: i32, %arg1: i32, %arg2: memref<2944x768xf32, #tpu.memory_space<hbm>>, %arg3: memref<32x4x16xi32, #tpu.memory_space<hbm>>, %arg4: memref<2048x768xf32, #tpu.memory_space<hbm>>, %arg5: memref<4x16xi32, #tpu.memory_space<vmem>>, %arg6: memref<64x768xf32, #tpu.memory_space<vmem>>, %arg7: memref<4x!tpu.dma_semaphore, #tpu.memory_space<semaphore_mem>>, %arg8: memref<4x!tpu.dma_semaphore, #tpu.memory_space<semaphore_mem>>) attributes {dimension_semantics = [#tpu.dimension_semantics<core_parallel>, #tpu.dimension_semantics<subcore_parallel>], iteration_bounds = array<i64: 2, 16>, scalar_prefetch = 0 : i64, scratch_operands = 4 : i64, tpu.core_type = #tpu.core_type<sc_vector_subcore>, window_params = [{transform_indices = #map}, {transform_indices = #map1}, {transform_indices = #map}]} {
    %mul3A = arith.constant 2 : i32
    %mul3A_0 = arith.muli %arg1, %mul3A : i32
    %add3A = arith.addi %mul3A_0, %arg0 : i32
    %mul3A_1 = arith.constant 64 : i32
    %mul3A_2 = arith.muli %add3A, %mul3A_1 : i32
    "tpu.region"() ({
      %run_scoped3A = tpu.sem_alloc : memref<!tpu.dma_semaphore, #tpu.memory_space<semaphore_mem>>
      %dma_start3A_217 = arith.constant 0 : i32
      %dma_start3A_218 = arith.constant 0 : i32
      %dma_start3A_219 = tpu.memref_slice %arg3[%add3A, %dma_start3A_217, %dma_start3A_218] : memref<32x4x16xi32, #tpu.memory_space<hbm>> -> memref<1x4x16xi32, #tpu.memory_space<hbm>>
      %dma_start3A_220 = tpu.memref_squeeze %dma_start3A_219 : memref<1x4x16xi32, #tpu.memory_space<hbm>> -> memref<4x16xi32, #tpu.memory_space<hbm>>
      %dma_start3A_221 = arith.constant 0 : i32
      %dma_start3A_222 = arith.constant 0 : i32
      %dma_start3A_223 = tpu.memref_slice %arg3[%add3A, %dma_start3A_221, %dma_start3A_222] : memref<32x4x16xi32, #tpu.memory_space<hbm>> -> memref<1x4x16xi32, #tpu.memory_space<hbm>>
      %dma_start3A_224 = tpu.memref_squeeze %dma_start3A_223 : memref<1x4x16xi32, #tpu.memory_space<hbm>> -> memref<4x16xi32, #tpu.memory_space<hbm>>
      tpu.enqueue_dma source(%dma_start3A_224 : memref<4x16xi32, #tpu.memory_space<hbm>>) target(%arg5 : memref<4x16xi32, #tpu.memory_space<vmem>>) target_semaphore(%run_scoped3A : memref<!tpu.dma_semaphore, #tpu.memory_space<semaphore_mem>>)
      %dma_wait3A_225 = arith.constant 0 : i32
      %dma_wait3A_226 = arith.constant 0 : i32
      %dma_wait3A_227 = tpu.memref_slice %arg3[%add3A, %dma_wait3A_225, %dma_wait3A_226] : memref<32x4x16xi32, #tpu.memory_space<hbm>> -> memref<1x4x16xi32, #tpu.memory_space<hbm>>
      %dma_wait3A_228 = tpu.memref_squeeze %dma_wait3A_227 : memref<1x4x16xi32, #tpu.memory_space<hbm>> -> memref<4x16xi32, #tpu.memory_space<hbm>>
      %dma_wait3A_229 = arith.constant 0 : i32
      %dma_wait3A_230 = arith.constant 0 : i32
      %dma_wait3A_231 = tpu.memref_slice %arg3[%add3A, %dma_wait3A_229, %dma_wait3A_230] : memref<32x4x16xi32, #tpu.memory_space<hbm>> -> memref<1x4x16xi32, #tpu.memory_space<hbm>>
      %dma_wait3A_232 = tpu.memref_squeeze %dma_wait3A_231 : memref<1x4x16xi32, #tpu.memory_space<hbm>> -> memref<4x16xi32, #tpu.memory_space<hbm>>
      tpu.wait_dma2 semaphore(%run_scoped3A : memref<!tpu.dma_semaphore, #tpu.memory_space<semaphore_mem>>) src(%dma_wait3A_232 : memref<4x16xi32, #tpu.memory_space<hbm>>) dst(%arg5 : memref<4x16xi32, #tpu.memory_space<vmem>>)
      tpu.yield
    }) : () -> ()
    %dma_start3A = arith.constant 0 : i32
    %dma_start3A_3 = arith.constant 0 : i32
    %dma_start3A_4 = arith.constant 0 : i32
    %dma_start3A_5 = arith.constant 0 : i32
    %dma_start3A_6 = tpu.memref_slice %arg6[%dma_start3A_4, %dma_start3A_5] : memref<64x768xf32, #tpu.memory_space<vmem>> -> memref<16x768xf32, #tpu.memory_space<vmem>>
    %dma_start3A_7 = arith.constant 0 : i32
    %dma_start3A_8 = tpu.memref_slice %arg5[%dma_start3A, %dma_start3A_7] : memref<4x16xi32, #tpu.memory_space<vmem>> -> memref<1x16xi32, #tpu.memory_space<vmem>>
    %dma_start3A_9 = tpu.memref_squeeze %dma_start3A_8 : memref<1x16xi32, #tpu.memory_space<vmem>> -> memref<16xi32, #tpu.memory_space<vmem>>
    %dma_start3A_10 = arith.constant 0 : i32
    %dma_start3A_11 = arith.constant 0 : i32
    %dma_start3A_12 = tpu.memref_slice %arg2[%dma_start3A_10, %dma_start3A_11] : memref<2944x768xf32, #tpu.memory_space<hbm>> -> memref<2944x768xf32, #tpu.memory_space<hbm>>
    %dma_start3A_13 = tpu.memref_slice %arg7[%dma_start3A_3] : memref<4x!tpu.dma_semaphore, #tpu.memory_space<semaphore_mem>> -> memref<1x!tpu.dma_semaphore, #tpu.memory_space<semaphore_mem>>
    %dma_start3A_14 = tpu.memref_squeeze %dma_start3A_13 : memref<1x!tpu.dma_semaphore, #tpu.memory_space<semaphore_mem>> -> memref<!tpu.dma_semaphore, #tpu.memory_space<semaphore_mem>>
    tpu.enqueue_indirect_dma source(%dma_start3A_12 : memref<2944x768xf32, #tpu.memory_space<hbm>>) target(%dma_start3A_6 : memref<16x768xf32, #tpu.memory_space<vmem>>) offsets(%dma_start3A_9 : memref<16xi32, #tpu.memory_space<vmem>>) semaphore(%dma_start3A_14 : memref<!tpu.dma_semaphore, #tpu.memory_space<semaphore_mem>>)
    %dma_start3A_15 = arith.constant 1 : i32
    %dma_start3A_16 = arith.constant 1 : i32
    %dma_start3A_17 = arith.constant 16 : i32
    %dma_start3A_18 = arith.constant 0 : i32
    %dma_start3A_19 = tpu.memref_slice %arg6[%dma_start3A_17, %dma_start3A_18] : memref<64x768xf32, #tpu.memory_space<vmem>> -> memref<16x768xf32, #tpu.memory_space<vmem>>
    %dma_start3A_20 = arith.constant 0 : i32
    %dma_start3A_21 = tpu.memref_slice %arg5[%dma_start3A_15, %dma_start3A_20] : memref<4x16xi32, #tpu.memory_space<vmem>> -> memref<1x16xi32, #tpu.memory_space<vmem>>
    %dma_start3A_22 = tpu.memref_squeeze %dma_start3A_21 : memref<1x16xi32, #tpu.memory_space<vmem>> -> memref<16xi32, #tpu.memory_space<vmem>>
    %dma_start3A_23 = arith.constant 0 : i32
    %dma_start3A_24 = arith.constant 0 : i32
    %dma_start3A_25 = tpu.memref_slice %arg2[%dma_start3A_23, %dma_start3A_24] : memref<2944x768xf32, #tpu.memory_space<hbm>> -> memref<2944x768xf32, #tpu.memory_space<hbm>>
    %dma_start3A_26 = tpu.memref_slice %arg7[%dma_start3A_16] : memref<4x!tpu.dma_semaphore, #tpu.memory_space<semaphore_mem>> -> memref<1x!tpu.dma_semaphore, #tpu.memory_space<semaphore_mem>>
    %dma_start3A_27 = tpu.memref_squeeze %dma_start3A_26 : memref<1x!tpu.dma_semaphore, #tpu.memory_space<semaphore_mem>> -> memref<!tpu.dma_semaphore, #tpu.memory_space<semaphore_mem>>
    tpu.enqueue_indirect_dma source(%dma_start3A_25 : memref<2944x768xf32, #tpu.memory_space<hbm>>) target(%dma_start3A_19 : memref<16x768xf32, #tpu.memory_space<vmem>>) offsets(%dma_start3A_22 : memref<16xi32, #tpu.memory_space<vmem>>) semaphore(%dma_start3A_27 : memref<!tpu.dma_semaphore, #tpu.memory_space<semaphore_mem>>)
    %dma_start3A_28 = arith.constant 2 : i32
    %dma_start3A_29 = arith.constant 2 : i32
    %dma_start3A_30 = arith.constant 32 : i32
    %dma_start3A_31 = arith.constant 0 : i32
    %dma_start3A_32 = tpu.memref_slice %arg6[%dma_start3A_30, %dma_start3A_31] : memref<64x768xf32, #tpu.memory_space<vmem>> -> memref<16x768xf32, #tpu.memory_space<vmem>>
    %dma_start3A_33 = arith.constant 0 : i32
    %dma_start3A_34 = tpu.memref_slice %arg5[%dma_start3A_28, %dma_start3A_33] : memref<4x16xi32, #tpu.memory_space<vmem>> -> memref<1x16xi32, #tpu.memory_space<vmem>>
    %dma_start3A_35 = tpu.memref_squeeze %dma_start3A_34 : memref<1x16xi32, #tpu.memory_space<vmem>> -> memref<16xi32, #tpu.memory_space<vmem>>
    %dma_start3A_36 = arith.constant 0 : i32
    %dma_start3A_37 = arith.constant 0 : i32
    %dma_start3A_38 = tpu.memref_slice %arg2[%dma_start3A_36, %dma_start3A_37] : memref<2944x768xf32, #tpu.memory_space<hbm>> -> memref<2944x768xf32, #tpu.memory_space<hbm>>
    %dma_start3A_39 = tpu.memref_slice %arg7[%dma_start3A_29] : memref<4x!tpu.dma_semaphore, #tpu.memory_space<semaphore_mem>> -> memref<1x!tpu.dma_semaphore, #tpu.memory_space<semaphore_mem>>
    %dma_start3A_40 = tpu.memref_squeeze %dma_start3A_39 : memref<1x!tpu.dma_semaphore, #tpu.memory_space<semaphore_mem>> -> memref<!tpu.dma_semaphore, #tpu.memory_space<semaphore_mem>>
    tpu.enqueue_indirect_dma source(%dma_start3A_38 : memref<2944x768xf32, #tpu.memory_space<hbm>>) target(%dma_start3A_32 : memref<16x768xf32, #tpu.memory_space<vmem>>) offsets(%dma_start3A_35 : memref<16xi32, #tpu.memory_space<vmem>>) semaphore(%dma_start3A_40 : memref<!tpu.dma_semaphore, #tpu.memory_space<semaphore_mem>>)
    %dma_start3A_41 = arith.constant 3 : i32
    %dma_start3A_42 = arith.constant 3 : i32
    %dma_start3A_43 = arith.constant 48 : i32
    %dma_start3A_44 = arith.constant 0 : i32
    %dma_start3A_45 = tpu.memref_slice %arg6[%dma_start3A_43, %dma_start3A_44] : memref<64x768xf32, #tpu.memory_space<vmem>> -> memref<16x768xf32, #tpu.memory_space<vmem>>
    %dma_start3A_46 = arith.constant 0 : i32
    %dma_start3A_47 = tpu.memref_slice %arg5[%dma_start3A_41, %dma_start3A_46] : memref<4x16xi32, #tpu.memory_space<vmem>> -> memref<1x16xi32, #tpu.memory_space<vmem>>
    %dma_start3A_48 = tpu.memref_squeeze %dma_start3A_47 : memref<1x16xi32, #tpu.memory_space<vmem>> -> memref<16xi32, #tpu.memory_space<vmem>>
    %dma_start3A_49 = arith.constant 0 : i32
    %dma_start3A_50 = arith.constant 0 : i32
    %dma_start3A_51 = tpu.memref_slice %arg2[%dma_start3A_49, %dma_start3A_50] : memref<2944x768xf32, #tpu.memory_space<hbm>> -> memref<2944x768xf32, #tpu.memory_space<hbm>>
    %dma_start3A_52 = tpu.memref_slice %arg7[%dma_start3A_42] : memref<4x!tpu.dma_semaphore, #tpu.memory_space<semaphore_mem>> -> memref<1x!tpu.dma_semaphore, #tpu.memory_space<semaphore_mem>>
    %dma_start3A_53 = tpu.memref_squeeze %dma_start3A_52 : memref<1x!tpu.dma_semaphore, #tpu.memory_space<semaphore_mem>> -> memref<!tpu.dma_semaphore, #tpu.memory_space<semaphore_mem>>
    tpu.enqueue_indirect_dma source(%dma_start3A_51 : memref<2944x768xf32, #tpu.memory_space<hbm>>) target(%dma_start3A_45 : memref<16x768xf32, #tpu.memory_space<vmem>>) offsets(%dma_start3A_48 : memref<16xi32, #tpu.memory_space<vmem>>) semaphore(%dma_start3A_53 : memref<!tpu.dma_semaphore, #tpu.memory_space<semaphore_mem>>)
    %dma_wait3A = arith.constant 0 : i32
    %dma_wait3A_54 = arith.constant 0 : i32
    %dma_wait3A_55 = arith.constant 0 : i32
    %dma_wait3A_56 = arith.constant 0 : i32
    %dma_wait3A_57 = tpu.memref_slice %arg6[%dma_wait3A_55, %dma_wait3A_56] : memref<64x768xf32, #tpu.memory_space<vmem>> -> memref<16x768xf32, #tpu.memory_space<vmem>>
    %dma_wait3A_58 = arith.constant 0 : i32
    %dma_wait3A_59 = tpu.memref_slice %arg5[%dma_wait3A, %dma_wait3A_58] : memref<4x16xi32, #tpu.memory_space<vmem>> -> memref<1x16xi32, #tpu.memory_space<vmem>>
    %dma_wait3A_60 = tpu.memref_squeeze %dma_wait3A_59 : memref<1x16xi32, #tpu.memory_space<vmem>> -> memref<16xi32, #tpu.memory_space<vmem>>
    %dma_wait3A_61 = arith.constant 0 : i32
    %dma_wait3A_62 = arith.constant 0 : i32
    %dma_wait3A_63 = tpu.memref_slice %arg2[%dma_wait3A_61, %dma_wait3A_62] : memref<2944x768xf32, #tpu.memory_space<hbm>> -> memref<2944x768xf32, #tpu.memory_space<hbm>>
    %dma_wait3A_64 = tpu.memref_slice %arg7[%dma_wait3A_54] : memref<4x!tpu.dma_semaphore, #tpu.memory_space<semaphore_mem>> -> memref<1x!tpu.dma_semaphore, #tpu.memory_space<semaphore_mem>>
    %dma_wait3A_65 = tpu.memref_squeeze %dma_wait3A_64 : memref<1x!tpu.dma_semaphore, #tpu.memory_space<semaphore_mem>> -> memref<!tpu.dma_semaphore, #tpu.memory_space<semaphore_mem>>
    tpu.wait_indirect_dma semaphore(%dma_wait3A_65 : memref<!tpu.dma_semaphore, #tpu.memory_space<semaphore_mem>>) src(%dma_wait3A_63 : memref<2944x768xf32, #tpu.memory_space<hbm>>) dst(%dma_wait3A_57 : memref<16x768xf32, #tpu.memory_space<vmem>>)
    %add3A_66 = arith.constant 0 : i32
    %add3A_67 = arith.addi %mul3A_2, %add3A_66 : i32
    %dma_start3A_68 = arith.constant 0 : i32
    %dma_start3A_69 = arith.constant 0 : i32
    %dma_start3A_70 = arith.constant 0 : i32
    %dma_start3A_71 = tpu.memref_slice %arg6[%dma_start3A_69, %dma_start3A_70] : memref<64x768xf32, #tpu.memory_space<vmem>> -> memref<16x768xf32, #tpu.memory_space<vmem>>
    %dma_start3A_72 = arith.constant 0 : i32
    %dma_start3A_73 = tpu.memref_slice %arg4[%add3A_67, %dma_start3A_72] : memref<2048x768xf32, #tpu.memory_space<hbm>> -> memref<16x768xf32, #tpu.memory_space<hbm>>
    %dma_start3A_74 = tpu.memref_slice %arg8[%dma_start3A_68] : memref<4x!tpu.dma_semaphore, #tpu.memory_space<semaphore_mem>> -> memref<1x!tpu.dma_semaphore, #tpu.memory_space<semaphore_mem>>
    %dma_start3A_75 = tpu.memref_squeeze %dma_start3A_74 : memref<1x!tpu.dma_semaphore, #tpu.memory_space<semaphore_mem>> -> memref<!tpu.dma_semaphore, #tpu.memory_space<semaphore_mem>>
    %dma_start3A_76 = arith.constant 0 : i32
    %dma_start3A_77 = tpu.memref_slice %arg4[%add3A_67, %dma_start3A_76] : memref<2048x768xf32, #tpu.memory_space<hbm>> -> memref<16x768xf32, #tpu.memory_space<hbm>>
    %dma_start3A_78 = arith.constant 0 : i32
    %dma_start3A_79 = arith.constant 0 : i32
    %dma_start3A_80 = tpu.memref_slice %arg6[%dma_start3A_78, %dma_start3A_79] : memref<64x768xf32, #tpu.memory_space<vmem>> -> memref<16x768xf32, #tpu.memory_space<vmem>>
    tpu.enqueue_dma source(%dma_start3A_80 : memref<16x768xf32, #tpu.memory_space<vmem>>) target(%dma_start3A_77 : memref<16x768xf32, #tpu.memory_space<hbm>>) target_semaphore(%dma_start3A_75 : memref<!tpu.dma_semaphore, #tpu.memory_space<semaphore_mem>>)
    %dma_wait3A_81 = arith.constant 1 : i32
    %dma_wait3A_82 = arith.constant 1 : i32
    %dma_wait3A_83 = arith.constant 16 : i32
    %dma_wait3A_84 = arith.constant 0 : i32
    %dma_wait3A_85 = tpu.memref_slice %arg6[%dma_wait3A_83, %dma_wait3A_84] : memref<64x768xf32, #tpu.memory_space<vmem>> -> memref<16x768xf32, #tpu.memory_space<vmem>>
    %dma_wait3A_86 = arith.constant 0 : i32
    %dma_wait3A_87 = tpu.memref_slice %arg5[%dma_wait3A_81, %dma_wait3A_86] : memref<4x16xi32, #tpu.memory_space<vmem>> -> memref<1x16xi32, #tpu.memory_space<vmem>>
    %dma_wait3A_88 = tpu.memref_squeeze %dma_wait3A_87 : memref<1x16xi32, #tpu.memory_space<vmem>> -> memref<16xi32, #tpu.memory_space<vmem>>
    %dma_wait3A_89 = arith.constant 0 : i32
    %dma_wait3A_90 = arith.constant 0 : i32
    %dma_wait3A_91 = tpu.memref_slice %arg2[%dma_wait3A_89, %dma_wait3A_90] : memref<2944x768xf32, #tpu.memory_space<hbm>> -> memref<2944x768xf32, #tpu.memory_space<hbm>>
    %dma_wait3A_92 = tpu.memref_slice %arg7[%dma_wait3A_82] : memref<4x!tpu.dma_semaphore, #tpu.memory_space<semaphore_mem>> -> memref<1x!tpu.dma_semaphore, #tpu.memory_space<semaphore_mem>>
    %dma_wait3A_93 = tpu.memref_squeeze %dma_wait3A_92 : memref<1x!tpu.dma_semaphore, #tpu.memory_space<semaphore_mem>> -> memref<!tpu.dma_semaphore, #tpu.memory_space<semaphore_mem>>
    tpu.wait_indirect_dma semaphore(%dma_wait3A_93 : memref<!tpu.dma_semaphore, #tpu.memory_space<semaphore_mem>>) src(%dma_wait3A_91 : memref<2944x768xf32, #tpu.memory_space<hbm>>) dst(%dma_wait3A_85 : memref<16x768xf32, #tpu.memory_space<vmem>>)
    %add3A_94 = arith.constant 16 : i32
    %add3A_95 = arith.addi %mul3A_2, %add3A_94 : i32
    %dma_start3A_96 = arith.constant 1 : i32
    %dma_start3A_97 = arith.constant 16 : i32
    %dma_start3A_98 = arith.constant 0 : i32
    %dma_start3A_99 = tpu.memref_slice %arg6[%dma_start3A_97, %dma_start3A_98] : memref<64x768xf32, #tpu.memory_space<vmem>> -> memref<16x768xf32, #tpu.memory_space<vmem>>
    %dma_start3A_100 = arith.constant 0 : i32
    %dma_start3A_101 = tpu.memref_slice %arg4[%add3A_95, %dma_start3A_100] : memref<2048x768xf32, #tpu.memory_space<hbm>> -> memref<16x768xf32, #tpu.memory_space<hbm>>
    %dma_start3A_102 = tpu.memref_slice %arg8[%dma_start3A_96] : memref<4x!tpu.dma_semaphore, #tpu.memory_space<semaphore_mem>> -> memref<1x!tpu.dma_semaphore, #tpu.memory_space<semaphore_mem>>
    %dma_start3A_103 = tpu.memref_squeeze %dma_start3A_102 : memref<1x!tpu.dma_semaphore, #tpu.memory_space<semaphore_mem>> -> memref<!tpu.dma_semaphore, #tpu.memory_space<semaphore_mem>>
    %dma_start3A_104 = arith.constant 0 : i32
    %dma_start3A_105 = tpu.memref_slice %arg4[%add3A_95, %dma_start3A_104] : memref<2048x768xf32, #tpu.memory_space<hbm>> -> memref<16x768xf32, #tpu.memory_space<hbm>>
    %dma_start3A_106 = arith.constant 16 : i32
    %dma_start3A_107 = arith.constant 0 : i32
    %dma_start3A_108 = tpu.memref_slice %arg6[%dma_start3A_106, %dma_start3A_107] : memref<64x768xf32, #tpu.memory_space<vmem>> -> memref<16x768xf32, #tpu.memory_space<vmem>>
    tpu.enqueue_dma source(%dma_start3A_108 : memref<16x768xf32, #tpu.memory_space<vmem>>) target(%dma_start3A_105 : memref<16x768xf32, #tpu.memory_space<hbm>>) target_semaphore(%dma_start3A_103 : memref<!tpu.dma_semaphore, #tpu.memory_space<semaphore_mem>>)
    %dma_wait3A_109 = arith.constant 2 : i32
    %dma_wait3A_110 = arith.constant 2 : i32
    %dma_wait3A_111 = arith.constant 32 : i32
    %dma_wait3A_112 = arith.constant 0 : i32
    %dma_wait3A_113 = tpu.memref_slice %arg6[%dma_wait3A_111, %dma_wait3A_112] : memref<64x768xf32, #tpu.memory_space<vmem>> -> memref<16x768xf32, #tpu.memory_space<vmem>>
    %dma_wait3A_114 = arith.constant 0 : i32
    %dma_wait3A_115 = tpu.memref_slice %arg5[%dma_wait3A_109, %dma_wait3A_114] : memref<4x16xi32, #tpu.memory_space<vmem>> -> memref<1x16xi32, #tpu.memory_space<vmem>>
    %dma_wait3A_116 = tpu.memref_squeeze %dma_wait3A_115 : memref<1x16xi32, #tpu.memory_space<vmem>> -> memref<16xi32, #tpu.memory_space<vmem>>
    %dma_wait3A_117 = arith.constant 0 : i32
    %dma_wait3A_118 = arith.constant 0 : i32
    %dma_wait3A_119 = tpu.memref_slice %arg2[%dma_wait3A_117, %dma_wait3A_118] : memref<2944x768xf32, #tpu.memory_space<hbm>> -> memref<2944x768xf32, #tpu.memory_space<hbm>>
    %dma_wait3A_120 = tpu.memref_slice %arg7[%dma_wait3A_110] : memref<4x!tpu.dma_semaphore, #tpu.memory_space<semaphore_mem>> -> memref<1x!tpu.dma_semaphore, #tpu.memory_space<semaphore_mem>>
    %dma_wait3A_121 = tpu.memref_squeeze %dma_wait3A_120 : memref<1x!tpu.dma_semaphore, #tpu.memory_space<semaphore_mem>> -> memref<!tpu.dma_semaphore, #tpu.memory_space<semaphore_mem>>
    tpu.wait_indirect_dma semaphore(%dma_wait3A_121 : memref<!tpu.dma_semaphore, #tpu.memory_space<semaphore_mem>>) src(%dma_wait3A_119 : memref<2944x768xf32, #tpu.memory_space<hbm>>) dst(%dma_wait3A_113 : memref<16x768xf32, #tpu.memory_space<vmem>>)
    %add3A_122 = arith.constant 32 : i32
    %add3A_123 = arith.addi %mul3A_2, %add3A_122 : i32
    %dma_start3A_124 = arith.constant 2 : i32
    %dma_start3A_125 = arith.constant 32 : i32
    %dma_start3A_126 = arith.constant 0 : i32
    %dma_start3A_127 = tpu.memref_slice %arg6[%dma_start3A_125, %dma_start3A_126] : memref<64x768xf32, #tpu.memory_space<vmem>> -> memref<16x768xf32, #tpu.memory_space<vmem>>
    %dma_start3A_128 = arith.constant 0 : i32
    %dma_start3A_129 = tpu.memref_slice %arg4[%add3A_123, %dma_start3A_128] : memref<2048x768xf32, #tpu.memory_space<hbm>> -> memref<16x768xf32, #tpu.memory_space<hbm>>
    %dma_start3A_130 = tpu.memref_slice %arg8[%dma_start3A_124] : memref<4x!tpu.dma_semaphore, #tpu.memory_space<semaphore_mem>> -> memref<1x!tpu.dma_semaphore, #tpu.memory_space<semaphore_mem>>
    %dma_start3A_131 = tpu.memref_squeeze %dma_start3A_130 : memref<1x!tpu.dma_semaphore, #tpu.memory_space<semaphore_mem>> -> memref<!tpu.dma_semaphore, #tpu.memory_space<semaphore_mem>>
    %dma_start3A_132 = arith.constant 0 : i32
    %dma_start3A_133 = tpu.memref_slice %arg4[%add3A_123, %dma_start3A_132] : memref<2048x768xf32, #tpu.memory_space<hbm>> -> memref<16x768xf32, #tpu.memory_space<hbm>>
    %dma_start3A_134 = arith.constant 32 : i32
    %dma_start3A_135 = arith.constant 0 : i32
    %dma_start3A_136 = tpu.memref_slice %arg6[%dma_start3A_134, %dma_start3A_135] : memref<64x768xf32, #tpu.memory_space<vmem>> -> memref<16x768xf32, #tpu.memory_space<vmem>>
    tpu.enqueue_dma source(%dma_start3A_136 : memref<16x768xf32, #tpu.memory_space<vmem>>) target(%dma_start3A_133 : memref<16x768xf32, #tpu.memory_space<hbm>>) target_semaphore(%dma_start3A_131 : memref<!tpu.dma_semaphore, #tpu.memory_space<semaphore_mem>>)
    %dma_wait3A_137 = arith.constant 3 : i32
    %dma_wait3A_138 = arith.constant 3 : i32
    %dma_wait3A_139 = arith.constant 48 : i32
    %dma_wait3A_140 = arith.constant 0 : i32
    %dma_wait3A_141 = tpu.memref_slice %arg6[%dma_wait3A_139, %dma_wait3A_140] : memref<64x768xf32, #tpu.memory_space<vmem>> -> memref<16x768xf32, #tpu.memory_space<vmem>>
    %dma_wait3A_142 = arith.constant 0 : i32
    %dma_wait3A_143 = tpu.memref_slice %arg5[%dma_wait3A_137, %dma_wait3A_142] : memref<4x16xi32, #tpu.memory_space<vmem>> -> memref<1x16xi32, #tpu.memory_space<vmem>>
    %dma_wait3A_144 = tpu.memref_squeeze %dma_wait3A_143 : memref<1x16xi32, #tpu.memory_space<vmem>> -> memref<16xi32, #tpu.memory_space<vmem>>
    %dma_wait3A_145 = arith.constant 0 : i32
    %dma_wait3A_146 = arith.constant 0 : i32
    %dma_wait3A_147 = tpu.memref_slice %arg2[%dma_wait3A_145, %dma_wait3A_146] : memref<2944x768xf32, #tpu.memory_space<hbm>> -> memref<2944x768xf32, #tpu.memory_space<hbm>>
    %dma_wait3A_148 = tpu.memref_slice %arg7[%dma_wait3A_138] : memref<4x!tpu.dma_semaphore, #tpu.memory_space<semaphore_mem>> -> memref<1x!tpu.dma_semaphore, #tpu.memory_space<semaphore_mem>>
    %dma_wait3A_149 = tpu.memref_squeeze %dma_wait3A_148 : memref<1x!tpu.dma_semaphore, #tpu.memory_space<semaphore_mem>> -> memref<!tpu.dma_semaphore, #tpu.memory_space<semaphore_mem>>
    tpu.wait_indirect_dma semaphore(%dma_wait3A_149 : memref<!tpu.dma_semaphore, #tpu.memory_space<semaphore_mem>>) src(%dma_wait3A_147 : memref<2944x768xf32, #tpu.memory_space<hbm>>) dst(%dma_wait3A_141 : memref<16x768xf32, #tpu.memory_space<vmem>>)
    %add3A_150 = arith.constant 48 : i32
    %add3A_151 = arith.addi %mul3A_2, %add3A_150 : i32
    %dma_start3A_152 = arith.constant 3 : i32
    %dma_start3A_153 = arith.constant 48 : i32
    %dma_start3A_154 = arith.constant 0 : i32
    %dma_start3A_155 = tpu.memref_slice %arg6[%dma_start3A_153, %dma_start3A_154] : memref<64x768xf32, #tpu.memory_space<vmem>> -> memref<16x768xf32, #tpu.memory_space<vmem>>
    %dma_start3A_156 = arith.constant 0 : i32
    %dma_start3A_157 = tpu.memref_slice %arg4[%add3A_151, %dma_start3A_156] : memref<2048x768xf32, #tpu.memory_space<hbm>> -> memref<16x768xf32, #tpu.memory_space<hbm>>
    %dma_start3A_158 = tpu.memref_slice %arg8[%dma_start3A_152] : memref<4x!tpu.dma_semaphore, #tpu.memory_space<semaphore_mem>> -> memref<1x!tpu.dma_semaphore, #tpu.memory_space<semaphore_mem>>
    %dma_start3A_159 = tpu.memref_squeeze %dma_start3A_158 : memref<1x!tpu.dma_semaphore, #tpu.memory_space<semaphore_mem>> -> memref<!tpu.dma_semaphore, #tpu.memory_space<semaphore_mem>>
    %dma_start3A_160 = arith.constant 0 : i32
    %dma_start3A_161 = tpu.memref_slice %arg4[%add3A_151, %dma_start3A_160] : memref<2048x768xf32, #tpu.memory_space<hbm>> -> memref<16x768xf32, #tpu.memory_space<hbm>>
    %dma_start3A_162 = arith.constant 48 : i32
    %dma_start3A_163 = arith.constant 0 : i32
    %dma_start3A_164 = tpu.memref_slice %arg6[%dma_start3A_162, %dma_start3A_163] : memref<64x768xf32, #tpu.memory_space<vmem>> -> memref<16x768xf32, #tpu.memory_space<vmem>>
    tpu.enqueue_dma source(%dma_start3A_164 : memref<16x768xf32, #tpu.memory_space<vmem>>) target(%dma_start3A_161 : memref<16x768xf32, #tpu.memory_space<hbm>>) target_semaphore(%dma_start3A_159 : memref<!tpu.dma_semaphore, #tpu.memory_space<semaphore_mem>>)
    %dma_wait3A_165 = arith.constant 0 : i32
    %dma_wait3A_166 = arith.constant 0 : i32
    %dma_wait3A_167 = arith.constant 0 : i32
    %dma_wait3A_168 = tpu.memref_slice %arg6[%dma_wait3A_166, %dma_wait3A_167] : memref<64x768xf32, #tpu.memory_space<vmem>> -> memref<16x768xf32, #tpu.memory_space<vmem>>
    %dma_wait3A_169 = arith.constant 0 : i32
    %dma_wait3A_170 = tpu.memref_slice %arg4[%add3A_67, %dma_wait3A_169] : memref<2048x768xf32, #tpu.memory_space<hbm>> -> memref<16x768xf32, #tpu.memory_space<hbm>>
    %dma_wait3A_171 = tpu.memref_slice %arg8[%dma_wait3A_165] : memref<4x!tpu.dma_semaphore, #tpu.memory_space<semaphore_mem>> -> memref<1x!tpu.dma_semaphore, #tpu.memory_space<semaphore_mem>>
    %dma_wait3A_172 = tpu.memref_squeeze %dma_wait3A_171 : memref<1x!tpu.dma_semaphore, #tpu.memory_space<semaphore_mem>> -> memref<!tpu.dma_semaphore, #tpu.memory_space<semaphore_mem>>
    %dma_wait3A_173 = arith.constant 0 : i32
    %dma_wait3A_174 = tpu.memref_slice %arg4[%add3A_67, %dma_wait3A_173] : memref<2048x768xf32, #tpu.memory_space<hbm>> -> memref<16x768xf32, #tpu.memory_space<hbm>>
    %dma_wait3A_175 = arith.constant 0 : i32
    %dma_wait3A_176 = arith.constant 0 : i32
    %dma_wait3A_177 = tpu.memref_slice %arg6[%dma_wait3A_175, %dma_wait3A_176] : memref<64x768xf32, #tpu.memory_space<vmem>> -> memref<16x768xf32, #tpu.memory_space<vmem>>
    tpu.wait_dma2 semaphore(%dma_wait3A_172 : memref<!tpu.dma_semaphore, #tpu.memory_space<semaphore_mem>>) src(%dma_wait3A_177 : memref<16x768xf32, #tpu.memory_space<vmem>>) dst(%dma_wait3A_174 : memref<16x768xf32, #tpu.memory_space<hbm>>)
    %dma_wait3A_178 = arith.constant 1 : i32
    %dma_wait3A_179 = arith.constant 16 : i32
    %dma_wait3A_180 = arith.constant 0 : i32
    %dma_wait3A_181 = tpu.memref_slice %arg6[%dma_wait3A_179, %dma_wait3A_180] : memref<64x768xf32, #tpu.memory_space<vmem>> -> memref<16x768xf32, #tpu.memory_space<vmem>>
    %dma_wait3A_182 = arith.constant 0 : i32
    %dma_wait3A_183 = tpu.memref_slice %arg4[%add3A_95, %dma_wait3A_182] : memref<2048x768xf32, #tpu.memory_space<hbm>> -> memref<16x768xf32, #tpu.memory_space<hbm>>
    %dma_wait3A_184 = tpu.memref_slice %arg8[%dma_wait3A_178] : memref<4x!tpu.dma_semaphore, #tpu.memory_space<semaphore_mem>> -> memref<1x!tpu.dma_semaphore, #tpu.memory_space<semaphore_mem>>
    %dma_wait3A_185 = tpu.memref_squeeze %dma_wait3A_184 : memref<1x!tpu.dma_semaphore, #tpu.memory_space<semaphore_mem>> -> memref<!tpu.dma_semaphore, #tpu.memory_space<semaphore_mem>>
    %dma_wait3A_186 = arith.constant 0 : i32
    %dma_wait3A_187 = tpu.memref_slice %arg4[%add3A_95, %dma_wait3A_186] : memref<2048x768xf32, #tpu.memory_space<hbm>> -> memref<16x768xf32, #tpu.memory_space<hbm>>
    %dma_wait3A_188 = arith.constant 16 : i32
    %dma_wait3A_189 = arith.constant 0 : i32
    %dma_wait3A_190 = tpu.memref_slice %arg6[%dma_wait3A_188, %dma_wait3A_189] : memref<64x768xf32, #tpu.memory_space<vmem>> -> memref<16x768xf32, #tpu.memory_space<vmem>>
    tpu.wait_dma2 semaphore(%dma_wait3A_185 : memref<!tpu.dma_semaphore, #tpu.memory_space<semaphore_mem>>) src(%dma_wait3A_190 : memref<16x768xf32, #tpu.memory_space<vmem>>) dst(%dma_wait3A_187 : memref<16x768xf32, #tpu.memory_space<hbm>>)
    %dma_wait3A_191 = arith.constant 2 : i32
    %dma_wait3A_192 = arith.constant 32 : i32
    %dma_wait3A_193 = arith.constant 0 : i32
    %dma_wait3A_194 = tpu.memref_slice %arg6[%dma_wait3A_192, %dma_wait3A_193] : memref<64x768xf32, #tpu.memory_space<vmem>> -> memref<16x768xf32, #tpu.memory_space<vmem>>
    %dma_wait3A_195 = arith.constant 0 : i32
    %dma_wait3A_196 = tpu.memref_slice %arg4[%add3A_123, %dma_wait3A_195] : memref<2048x768xf32, #tpu.memory_space<hbm>> -> memref<16x768xf32, #tpu.memory_space<hbm>>
    %dma_wait3A_197 = tpu.memref_slice %arg8[%dma_wait3A_191] : memref<4x!tpu.dma_semaphore, #tpu.memory_space<semaphore_mem>> -> memref<1x!tpu.dma_semaphore, #tpu.memory_space<semaphore_mem>>
    %dma_wait3A_198 = tpu.memref_squeeze %dma_wait3A_197 : memref<1x!tpu.dma_semaphore, #tpu.memory_space<semaphore_mem>> -> memref<!tpu.dma_semaphore, #tpu.memory_space<semaphore_mem>>
    %dma_wait3A_199 = arith.constant 0 : i32
    %dma_wait3A_200 = tpu.memref_slice %arg4[%add3A_123, %dma_wait3A_199] : memref<2048x768xf32, #tpu.memory_space<hbm>> -> memref<16x768xf32, #tpu.memory_space<hbm>>
    %dma_wait3A_201 = arith.constant 32 : i32
    %dma_wait3A_202 = arith.constant 0 : i32
    %dma_wait3A_203 = tpu.memref_slice %arg6[%dma_wait3A_201, %dma_wait3A_202] : memref<64x768xf32, #tpu.memory_space<vmem>> -> memref<16x768xf32, #tpu.memory_space<vmem>>
    tpu.wait_dma2 semaphore(%dma_wait3A_198 : memref<!tpu.dma_semaphore, #tpu.memory_space<semaphore_mem>>) src(%dma_wait3A_203 : memref<16x768xf32, #tpu.memory_space<vmem>>) dst(%dma_wait3A_200 : memref<16x768xf32, #tpu.memory_space<hbm>>)
    %dma_wait3A_204 = arith.constant 3 : i32
    %dma_wait3A_205 = arith.constant 48 : i32
    %dma_wait3A_206 = arith.constant 0 : i32
    %dma_wait3A_207 = tpu.memref_slice %arg6[%dma_wait3A_205, %dma_wait3A_206] : memref<64x768xf32, #tpu.memory_space<vmem>> -> memref<16x768xf32, #tpu.memory_space<vmem>>
    %dma_wait3A_208 = arith.constant 0 : i32
    %dma_wait3A_209 = tpu.memref_slice %arg4[%add3A_151, %dma_wait3A_208] : memref<2048x768xf32, #tpu.memory_space<hbm>> -> memref<16x768xf32, #tpu.memory_space<hbm>>
    %dma_wait3A_210 = tpu.memref_slice %arg8[%dma_wait3A_204] : memref<4x!tpu.dma_semaphore, #tpu.memory_space<semaphore_mem>> -> memref<1x!tpu.dma_semaphore, #tpu.memory_space<semaphore_mem>>
    %dma_wait3A_211 = tpu.memref_squeeze %dma_wait3A_210 : memref<1x!tpu.dma_semaphore, #tpu.memory_space<semaphore_mem>> -> memref<!tpu.dma_semaphore, #tpu.memory_space<semaphore_mem>>
    %dma_wait3A_212 = arith.constant 0 : i32
    %dma_wait3A_213 = tpu.memref_slice %arg4[%add3A_151, %dma_wait3A_212] : memref<2048x768xf32, #tpu.memory_space<hbm>> -> memref<16x768xf32, #tpu.memory_space<hbm>>
    %dma_wait3A_214 = arith.constant 48 : i32
    %dma_wait3A_215 = arith.constant 0 : i32
    %dma_wait3A_216 = tpu.memref_slice %arg6[%dma_wait3A_214, %dma_wait3A_215] : memref<64x768xf32, #tpu.memory_space<vmem>> -> memref<16x768xf32, #tpu.memory_space<vmem>>
    tpu.wait_dma2 semaphore(%dma_wait3A_211 : memref<!tpu.dma_semaphore, #tpu.memory_space<semaphore_mem>>) src(%dma_wait3A_216 : memref<16x768xf32, #tpu.memory_space<vmem>>) dst(%dma_wait3A_213 : memref<16x768xf32, #tpu.memory_space<hbm>>)
    return
  }
}

module attributes {stable_mosaic.version = 14 : i64} {
  func.func @_qkv_body(%arg0: i32, %arg1: memref<256x768xf32, #tpu.memory_space<vmem>>, %arg2: memref<768x2304xf32, #tpu.memory_space<vmem>>, %arg3: memref<1x2304xf32, #tpu.memory_space<vmem>>, %arg4: memref<256x768xf32, #tpu.memory_space<vmem>>, %arg5: memref<256x768xf32, #tpu.memory_space<vmem>>, %arg6: memref<256x768xf32, #tpu.memory_space<vmem>>) attributes {dimension_semantics = [#tpu.dimension_semantics<arbitrary>], iteration_bounds = array<i64: 8>, scalar_prefetch = 0 : i64, scratch_operands = 0 : i64, tpu.core_type = #tpu.core_type<tc>, window_params = [{transform_indices = @transform_0, window_bounds = array<i64: 256, 768>}, {pipeline_mode = #tpu.pipeline_mode<synchronous>, transform_indices = @transform_1, window_bounds = array<i64: 768, 2304>}, {pipeline_mode = #tpu.pipeline_mode<synchronous>, transform_indices = @transform_2, window_bounds = array<i64: 1, 2304>}, {transform_indices = @transform_3, window_bounds = array<i64: 256, 768>}, {transform_indices = @transform_4, window_bounds = array<i64: 256, 768>}, {transform_indices = @transform_5, window_bounds = array<i64: 256, 768>}]} {
    %get3A = arith.constant 0 : index
    %get3A_0 = arith.constant 0 : index
    %get3A_1 = vector.load %arg1[%get3A, %get3A_0] : memref<256x768xf32, #tpu.memory_space<vmem>>, vector<256x768xf32>
    %get3A_2 = arith.constant 0 : index
    %get3A_3 = arith.constant 0 : index
    %get3A_4 = vector.load %arg2[%get3A_2, %get3A_3] : memref<768x2304xf32, #tpu.memory_space<vmem>>, vector<768x2304xf32>
    %dot_general3A = arith.constant dense<0.000000e+00> : vector<256x2304xf32>
    %dot_general3A_5 = tpu.matmul %get3A_1, %get3A_4, %dot_general3A {dimension_numbers = #tpu.dot_dimension_numbers<[1], [0], [0], [1], [0, 0, 1, 1], [], []>, transpose_lhs_hint = false} : vector<256x768xf32>, vector<768x2304xf32>, vector<256x2304xf32> -> vector<256x2304xf32>
    %get3A_6 = arith.constant 0 : index
    %get3A_7 = arith.constant 0 : index
    %get3A_8 = vector.load %arg3[%get3A_6, %get3A_7] : memref<1x2304xf32, #tpu.memory_space<vmem>>, vector<1x2304xf32>
    %add3A = vector.broadcast %get3A_8 : vector<1x2304xf32> to vector<256x2304xf32>
    %add3A_9 = arith.addf %dot_general3A_5, %add3A : vector<256x2304xf32>
    %slice3A = vector.extract_strided_slice %add3A_9 {offsets = [0, 0], sizes = [256, 768], strides = [1, 1]} : vector<256x2304xf32> to vector<256x768xf32>
    %swap3A = arith.constant 0 : index
    %swap3A_10 = arith.constant 0 : index
    %swap3A_11 = vector.load %arg4[%swap3A, %swap3A_10] : memref<256x768xf32, #tpu.memory_space<vmem>>, vector<256x768xf32>
    tpu.vector_store %arg4[%swap3A, %swap3A_10], %slice3A {strides = array<i32>} : memref<256x768xf32, #tpu.memory_space<vmem>>, vector<256x768xf32>,
    %slice3A_12 = vector.extract_strided_slice %add3A_9 {offsets = [0, 768], sizes = [256, 768], strides = [1, 1]} : vector<256x2304xf32> to vector<256x768xf32>
    %swap3A_13 = arith.constant 0 : index
    %swap3A_14 = arith.constant 0 : index
    %swap3A_15 = vector.load %arg5[%swap3A_13, %swap3A_14] : memref<256x768xf32, #tpu.memory_space<vmem>>, vector<256x768xf32>
    tpu.vector_store %arg5[%swap3A_13, %swap3A_14], %slice3A_12 {strides = array<i32>} : memref<256x768xf32, #tpu.memory_space<vmem>>, vector<256x768xf32>,
    %slice3A_16 = vector.extract_strided_slice %add3A_9 {offsets = [0, 1536], sizes = [256, 768], strides = [1, 1]} : vector<256x2304xf32> to vector<256x768xf32>
    %swap3A_17 = arith.constant 0 : index
    %swap3A_18 = arith.constant 0 : index
    %swap3A_19 = vector.load %arg6[%swap3A_17, %swap3A_18] : memref<256x768xf32, #tpu.memory_space<vmem>>, vector<256x768xf32>
    tpu.vector_store %arg6[%swap3A_17, %swap3A_18], %slice3A_16 {strides = array<i32>} : memref<256x768xf32, #tpu.memory_space<vmem>>, vector<256x768xf32>,
    return
  }
  func.func @transform_0(%arg0: i32) -> (i32, i32) {
    %c0_i32 = arith.constant 0 : i32
    %c0_i32_0 = arith.constant 0 : i32
    return %arg0, %c0_i32 : i32, i32
  }
  func.func @transform_1(%arg0: i32) -> (i32, i32) {
    %c0_i32 = arith.constant 0 : i32
    %c0_i32_0 = arith.constant 0 : i32
    %c0_i32_1 = arith.constant 0 : i32
    return %c0_i32, %c0_i32_0 : i32, i32
  }
  func.func @transform_2(%arg0: i32) -> (i32, i32) {
    %c0_i32 = arith.constant 0 : i32
    %c0_i32_0 = arith.constant 0 : i32
    %c0_i32_1 = arith.constant 0 : i32
    return %c0_i32, %c0_i32_0 : i32, i32
  }
  func.func @transform_3(%arg0: i32) -> (i32, i32) {
    %c0_i32 = arith.constant 0 : i32
    %c0_i32_0 = arith.constant 0 : i32
    return %arg0, %c0_i32 : i32, i32
  }
  func.func @transform_4(%arg0: i32) -> (i32, i32) {
    %c0_i32 = arith.constant 0 : i32
    %c0_i32_0 = arith.constant 0 : i32
    return %arg0, %c0_i32 : i32, i32
  }
  func.func @transform_5(%arg0: i32) -> (i32, i32) {
    %c0_i32 = arith.constant 0 : i32
    %c0_i32_0 = arith.constant 0 : i32
    return %arg0, %c0_i32 : i32, i32
  }
}

module attributes {stable_mosaic.version = 14 : i64} {
  func.func @_attn_body(%arg0: i32, %arg1: i32, %arg2: memref<256x128xf32, #tpu.memory_space<vmem>>, %arg3: memref<2048x128xf32, #tpu.memory_space<vmem>>, %arg4: memref<2048x128xf32, #tpu.memory_space<vmem>>, %arg5: memref<256x128xf32, #tpu.memory_space<vmem>>) attributes {dimension_semantics = [#tpu.dimension_semantics<arbitrary>, #tpu.dimension_semantics<arbitrary>], iteration_bounds = array<i64: 6, 8>, scalar_prefetch = 0 : i64, scratch_operands = 0 : i64, tpu.core_type = #tpu.core_type<tc>, window_params = [{transform_indices = @transform_0, window_bounds = array<i64: 256, 128>}, {transform_indices = @transform_1, window_bounds = array<i64: 2048, 128>}, {transform_indices = @transform_2, window_bounds = array<i64: 2048, 128>}, {transform_indices = @transform_3, window_bounds = array<i64: 256, 128>}]} {
    %get3A = arith.constant 0 : index
    %get3A_0 = arith.constant 0 : index
    %get3A_1 = vector.load %arg2[%get3A, %get3A_0] : memref<256x128xf32, #tpu.memory_space<vmem>>, vector<256x64xf32>
    %get3A_2 = arith.constant 0 : index
    %get3A_3 = arith.constant 0 : index
    %get3A_4 = vector.load %arg3[%get3A_2, %get3A_3] : memref<2048x128xf32, #tpu.memory_space<vmem>>, vector<2048x64xf32>
    %dot_general3A = arith.constant dense<0.000000e+00> : vector<256x2048xf32>
    %dot_general3A_5 = tpu.matmul %get3A_1, %get3A_4, %dot_general3A {dimension_numbers = #tpu.dot_dimension_numbers<[1], [1], [0], [0], [0, 0, 1, 0], [], []>, transpose_lhs_hint = false} : vector<256x64xf32>, vector<2048x64xf32>, vector<256x2048xf32> -> vector<256x2048xf32>
    %mul3A = arith.constant 1.250000e-01 : f32
    %mul3A_6 = vector.broadcast %mul3A : f32 to vector<256x2048xf32>
    %mul3A_7 = arith.mulf %dot_general3A_5, %mul3A_6 : vector<256x2048xf32>
    %reduce_max3A = arith.constant dense<0xFF800000> : vector<256xf32>
    %reduce_max3A_8 = vector.multi_reduction <maximumf>, %mul3A_7, %reduce_max3A [1] : vector<256x2048xf32> to vector<256xf32>
    %broadcast_in_dim3A = vector.shape_cast %reduce_max3A_8 : vector<256xf32> to vector<256x1xf32>
    %sub3A = vector.broadcast %broadcast_in_dim3A : vector<256x1xf32> to vector<256x2048xf32>
    %sub3A_9 = arith.subf %mul3A_7, %sub3A : vector<256x2048xf32>
    %exp3A = math.exp %sub3A_9 : vector<256x2048xf32>
    %reduce_sum3A = arith.constant dense<0.000000e+00> : vector<256xf32>
    %reduce_sum3A_10 = vector.multi_reduction <add>, %exp3A, %reduce_sum3A [1] : vector<256x2048xf32> to vector<256xf32>
    %broadcast_in_dim3A_11 = vector.shape_cast %reduce_sum3A_10 : vector<256xf32> to vector<256x1xf32>
    %div3A = vector.broadcast %broadcast_in_dim3A_11 : vector<256x1xf32> to vector<256x2048xf32>
    %div3A_12 = arith.divf %exp3A, %div3A : vector<256x2048xf32>
    %get3A_13 = arith.constant 0 : index
    %get3A_14 = arith.constant 0 : index
    %get3A_15 = vector.load %arg4[%get3A_13, %get3A_14] : memref<2048x128xf32, #tpu.memory_space<vmem>>, vector<2048x64xf32>
    %dot_general3A_16 = arith.constant dense<0.000000e+00> : vector<256x64xf32>
    %dot_general3A_17 = tpu.matmul %div3A_12, %get3A_15, %dot_general3A_16 {dimension_numbers = #tpu.dot_dimension_numbers<[1], [0], [0], [1], [0, 0, 1, 1], [], []>, transpose_lhs_hint = false} : vector<256x2048xf32>, vector<2048x64xf32>, vector<256x64xf32> -> vector<256x64xf32>
    %swap3A = arith.constant 0 : index
    %swap3A_18 = arith.constant 0 : index
    %swap3A_19 = vector.load %arg5[%swap3A, %swap3A_18] : memref<256x128xf32, #tpu.memory_space<vmem>>, vector<256x64xf32>
    tpu.vector_store %arg5[%swap3A, %swap3A_18], %dot_general3A_17 {strides = array<i32>} : memref<256x128xf32, #tpu.memory_space<vmem>>, vector<256x64xf32>,
    %get3A_20 = arith.constant 0 : index
    %get3A_21 = arith.constant 64 : index
    %get3A_22 = vector.load %arg2[%get3A_20, %get3A_21] : memref<256x128xf32, #tpu.memory_space<vmem>>, vector<256x64xf32>
    %get3A_23 = arith.constant 0 : index
    %get3A_24 = arith.constant 64 : index
    %get3A_25 = vector.load %arg3[%get3A_23, %get3A_24] : memref<2048x128xf32, #tpu.memory_space<vmem>>, vector<2048x64xf32>
    %dot_general3A_26 = arith.constant dense<0.000000e+00> : vector<256x2048xf32>
    %dot_general3A_27 = tpu.matmul %get3A_22, %get3A_25, %dot_general3A_26 {dimension_numbers = #tpu.dot_dimension_numbers<[1], [1], [0], [0], [0, 0, 1, 0], [], []>, transpose_lhs_hint = false} : vector<256x64xf32>, vector<2048x64xf32>, vector<256x2048xf32> -> vector<256x2048xf32>
    %mul3A_28 = arith.constant 1.250000e-01 : f32
    %mul3A_29 = vector.broadcast %mul3A_28 : f32 to vector<256x2048xf32>
    %mul3A_30 = arith.mulf %dot_general3A_27, %mul3A_29 : vector<256x2048xf32>
    %reduce_max3A_31 = arith.constant dense<0xFF800000> : vector<256xf32>
    %reduce_max3A_32 = vector.multi_reduction <maximumf>, %mul3A_30, %reduce_max3A_31 [1] : vector<256x2048xf32> to vector<256xf32>
    %broadcast_in_dim3A_33 = vector.shape_cast %reduce_max3A_32 : vector<256xf32> to vector<256x1xf32>
    %sub3A_34 = vector.broadcast %broadcast_in_dim3A_33 : vector<256x1xf32> to vector<256x2048xf32>
    %sub3A_35 = arith.subf %mul3A_30, %sub3A_34 : vector<256x2048xf32>
    %exp3A_36 = math.exp %sub3A_35 : vector<256x2048xf32>
    %reduce_sum3A_37 = arith.constant dense<0.000000e+00> : vector<256xf32>
    %reduce_sum3A_38 = vector.multi_reduction <add>, %exp3A_36, %reduce_sum3A_37 [1] : vector<256x2048xf32> to vector<256xf32>
    %broadcast_in_dim3A_39 = vector.shape_cast %reduce_sum3A_38 : vector<256xf32> to vector<256x1xf32>
    %div3A_40 = vector.broadcast %broadcast_in_dim3A_39 : vector<256x1xf32> to vector<256x2048xf32>
    %div3A_41 = arith.divf %exp3A_36, %div3A_40 : vector<256x2048xf32>
    %get3A_42 = arith.constant 0 : index
    %get3A_43 = arith.constant 64 : index
    %get3A_44 = vector.load %arg4[%get3A_42, %get3A_43] : memref<2048x128xf32, #tpu.memory_space<vmem>>, vector<2048x64xf32>
    %dot_general3A_45 = arith.constant dense<0.000000e+00> : vector<256x64xf32>
    %dot_general3A_46 = tpu.matmul %div3A_41, %get3A_44, %dot_general3A_45 {dimension_numbers = #tpu.dot_dimension_numbers<[1], [0], [0], [1], [0, 0, 1, 1], [], []>, transpose_lhs_hint = false} : vector<256x2048xf32>, vector<2048x64xf32>, vector<256x64xf32> -> vector<256x64xf32>
    %swap3A_47 = arith.constant 0 : index
    %swap3A_48 = arith.constant 64 : index
    %swap3A_49 = vector.load %arg5[%swap3A_47, %swap3A_48] : memref<256x128xf32, #tpu.memory_space<vmem>>, vector<256x64xf32>
    tpu.vector_store %arg5[%swap3A_47, %swap3A_48], %dot_general3A_46 {strides = array<i32>} : memref<256x128xf32, #tpu.memory_space<vmem>>, vector<256x64xf32>,
    return
  }
  func.func @transform_0(%arg0: i32, %arg1: i32) -> (i32, i32) {
    %c0_i32 = arith.constant 0 : i32
    return %arg1, %arg0 : i32, i32
  }
  func.func @transform_1(%arg0: i32, %arg1: i32) -> (i32, i32) {
    %c0_i32 = arith.constant 0 : i32
    %c0_i32_0 = arith.constant 0 : i32
    return %c0_i32, %arg0 : i32, i32
  }
  func.func @transform_2(%arg0: i32, %arg1: i32) -> (i32, i32) {
    %c0_i32 = arith.constant 0 : i32
    %c0_i32_0 = arith.constant 0 : i32
    return %c0_i32, %arg0 : i32, i32
  }
  func.func @transform_3(%arg0: i32, %arg1: i32) -> (i32, i32) {
    %c0_i32 = arith.constant 0 : i32
    return %arg1, %arg0 : i32, i32
  }
}

module attributes {stable_mosaic.version = 14 : i64} {
  func.func @_postattn_body(%arg0: i32, %arg1: memref<256x768xf32, #tpu.memory_space<vmem>>, %arg2: memref<256x768xf32, #tpu.memory_space<vmem>>, %arg3: memref<768x768xf32, #tpu.memory_space<vmem>>, %arg4: memref<1x768xf32, #tpu.memory_space<vmem>>, %arg5: memref<1x768xf32, #tpu.memory_space<vmem>>, %arg6: memref<1x768xf32, #tpu.memory_space<vmem>>, %arg7: memref<768x128xf32, #tpu.memory_space<vmem>>, %arg8: memref<1x128xf32, #tpu.memory_space<vmem>>, %arg9: memref<256x768xf32, #tpu.memory_space<vmem>>, %arg10: memref<256x1xi32, #tpu.memory_space<vmem>>) attributes {dimension_semantics = [#tpu.dimension_semantics<arbitrary>], iteration_bounds = array<i64: 8>, scalar_prefetch = 0 : i64, scratch_operands = 0 : i64, tpu.core_type = #tpu.core_type<tc>, window_params = [{transform_indices = @transform_0, window_bounds = array<i64: 256, 768>}, {transform_indices = @transform_1, window_bounds = array<i64: 256, 768>}, {pipeline_mode = #tpu.pipeline_mode<synchronous>, transform_indices = @transform_2, window_bounds = array<i64: 768, 768>}, {pipeline_mode = #tpu.pipeline_mode<synchronous>, transform_indices = @transform_3, window_bounds = array<i64: 1, 768>}, {pipeline_mode = #tpu.pipeline_mode<synchronous>, transform_indices = @transform_4, window_bounds = array<i64: 1, 768>}, {pipeline_mode = #tpu.pipeline_mode<synchronous>, transform_indices = @transform_5, window_bounds = array<i64: 1, 768>}, {pipeline_mode = #tpu.pipeline_mode<synchronous>, transform_indices = @transform_6, window_bounds = array<i64: 768, 128>}, {pipeline_mode = #tpu.pipeline_mode<synchronous>, transform_indices = @transform_7, window_bounds = array<i64: 1, 128>}, {transform_indices = @transform_8, window_bounds = array<i64: 256, 768>}, {transform_indices = @transform_9, window_bounds = array<i64: 256, 1>}]} {
    %get3A = arith.constant 0 : index
    %get3A_0 = arith.constant 0 : index
    %get3A_1 = vector.load %arg2[%get3A, %get3A_0] : memref<256x768xf32, #tpu.memory_space<vmem>>, vector<256x768xf32>
    %get3A_2 = arith.constant 0 : index
    %get3A_3 = arith.constant 0 : index
    %get3A_4 = vector.load %arg3[%get3A_2, %get3A_3] : memref<768x768xf32, #tpu.memory_space<vmem>>, vector<768x768xf32>
    %dot_general3A = arith.constant dense<0.000000e+00> : vector<256x768xf32>
    %dot_general3A_5 = tpu.matmul %get3A_1, %get3A_4, %dot_general3A {dimension_numbers = #tpu.dot_dimension_numbers<[1], [0], [0], [1], [0, 0, 1, 1], [], []>, transpose_lhs_hint = false} : vector<256x768xf32>, vector<768x768xf32>, vector<256x768xf32> -> vector<256x768xf32>
    %get3A_6 = arith.constant 0 : index
    %get3A_7 = arith.constant 0 : index
    %get3A_8 = vector.load %arg4[%get3A_6, %get3A_7] : memref<1x768xf32, #tpu.memory_space<vmem>>, vector<1x768xf32>
    %add3A = vector.broadcast %get3A_8 : vector<1x768xf32> to vector<256x768xf32>
    %add3A_9 = arith.addf %dot_general3A_5, %add3A : vector<256x768xf32>
    %get3A_10 = arith.constant 0 : index
    %get3A_11 = arith.constant 0 : index
    %get3A_12 = vector.load %arg1[%get3A_10, %get3A_11] : memref<256x768xf32, #tpu.memory_space<vmem>>, vector<256x768xf32>
    %add3A_13 = arith.addf %get3A_12, %add3A_9 : vector<256x768xf32>
    %reduce_sum3A = arith.constant dense<0.000000e+00> : vector<256xf32>
    %reduce_sum3A_14 = vector.multi_reduction <add>, %add3A_13, %reduce_sum3A [1] : vector<256x768xf32> to vector<256xf32>
    %broadcast_in_dim3A = vector.shape_cast %reduce_sum3A_14 : vector<256xf32> to vector<256x1xf32>
    %div3A = arith.constant 7.680000e+02 : f32
    %div3A_15 = vector.broadcast %div3A : f32 to vector<256x1xf32>
    %div3A_16 = arith.divf %broadcast_in_dim3A, %div3A_15 : vector<256x1xf32>
    %sub3A = vector.broadcast %div3A_16 : vector<256x1xf32> to vector<256x768xf32>
    %sub3A_17 = arith.subf %add3A_13, %sub3A : vector<256x768xf32>
    %integer_pow3A = arith.mulf %sub3A_17, %sub3A_17 : vector<256x768xf32>
    %reduce_sum3A_18 = arith.constant dense<0.000000e+00> : vector<256xf32>
    %reduce_sum3A_19 = vector.multi_reduction <add>, %integer_pow3A, %reduce_sum3A_18 [1] : vector<256x768xf32> to vector<256xf32>
    %broadcast_in_dim3A_20 = vector.shape_cast %reduce_sum3A_19 : vector<256xf32> to vector<256x1xf32>
    %div3A_21 = arith.constant 7.680000e+02 : f32
    %div3A_22 = vector.broadcast %div3A_21 : f32 to vector<256x1xf32>
    %div3A_23 = arith.divf %broadcast_in_dim3A_20, %div3A_22 : vector<256x1xf32>
    %sub3A_24 = vector.broadcast %div3A_16 : vector<256x1xf32> to vector<256x768xf32>
    %sub3A_25 = arith.subf %add3A_13, %sub3A_24 : vector<256x768xf32>
    %add3A_26 = arith.constant 9.99999974E-6 : f32
    %add3A_27 = vector.broadcast %add3A_26 : f32 to vector<256x1xf32>
    %add3A_28 = arith.addf %div3A_23, %add3A_27 : vector<256x1xf32>
    %rsqrt3A = math.rsqrt %add3A_28 : vector<256x1xf32>
    %mul3A = vector.broadcast %rsqrt3A : vector<256x1xf32> to vector<256x768xf32>
    %mul3A_29 = arith.mulf %sub3A_25, %mul3A : vector<256x768xf32>
    %get3A_30 = arith.constant 0 : index
    %get3A_31 = arith.constant 0 : index
    %get3A_32 = vector.load %arg5[%get3A_30, %get3A_31] : memref<1x768xf32, #tpu.memory_space<vmem>>, vector<1x768xf32>
    %mul3A_33 = vector.broadcast %get3A_32 : vector<1x768xf32> to vector<256x768xf32>
    %mul3A_34 = arith.mulf %mul3A_29, %mul3A_33 : vector<256x768xf32>
    %get3A_35 = arith.constant 0 : index
    %get3A_36 = arith.constant 0 : index
    %get3A_37 = vector.load %arg6[%get3A_35, %get3A_36] : memref<1x768xf32, #tpu.memory_space<vmem>>, vector<1x768xf32>
    %add3A_38 = vector.broadcast %get3A_37 : vector<1x768xf32> to vector<256x768xf32>
    %add3A_39 = arith.addf %mul3A_34, %add3A_38 : vector<256x768xf32>
    %swap3A = arith.constant 0 : index
    %swap3A_40 = arith.constant 0 : index
    %swap3A_41 = vector.load %arg9[%swap3A, %swap3A_40] : memref<256x768xf32, #tpu.memory_space<vmem>>, vector<256x768xf32>
    tpu.vector_store %arg9[%swap3A, %swap3A_40], %add3A_39 {strides = array<i32>} : memref<256x768xf32, #tpu.memory_space<vmem>>, vector<256x768xf32>,
    %get3A_42 = arith.constant 0 : index
    %get3A_43 = arith.constant 0 : index
    %get3A_44 = vector.load %arg7[%get3A_42, %get3A_43] : memref<768x128xf32, #tpu.memory_space<vmem>>, vector<768x128xf32>
    %dot_general3A_45 = arith.constant dense<0.000000e+00> : vector<256x128xf32>
    %dot_general3A_46 = tpu.matmul %add3A_39, %get3A_44, %dot_general3A_45 {dimension_numbers = #tpu.dot_dimension_numbers<[1], [0], [0], [1], [0, 0, 1, 1], [], []>, transpose_lhs_hint = false} : vector<256x768xf32>, vector<768x128xf32>, vector<256x128xf32> -> vector<256x128xf32>
    %get3A_47 = arith.constant 0 : index
    %get3A_48 = arith.constant 0 : index
    %get3A_49 = vector.load %arg8[%get3A_47, %get3A_48] : memref<1x128xf32, #tpu.memory_space<vmem>>, vector<1x128xf32>
    %add3A_50 = vector.broadcast %get3A_49 : vector<1x128xf32> to vector<256x128xf32>
    %add3A_51 = arith.addf %dot_general3A_46, %add3A_50 : vector<256x128xf32>
    %reduce_max3A = arith.constant dense<0xFF800000> : vector<256xf32>
    %reduce_max3A_52 = vector.multi_reduction <maximumf>, %add3A_51, %reduce_max3A [1] : vector<256x128xf32> to vector<256xf32>
    %broadcast_in_dim3A_53 = vector.shape_cast %reduce_max3A_52 : vector<256xf32> to vector<256x1xf32>
    %iota3A = tpu.iota {dimensions = array<i32: 1>} : vector<256x128xi32>
    %ge3A = vector.broadcast %broadcast_in_dim3A_53 : vector<256x1xf32> to vector<256x128xf32>
    %ge3A_54 = arith.cmpf oge, %add3A_51, %ge3A : vector<256x128xf32>
    %jit3A = arith.constant 128 : i32
    %broadcast_in_dim3A_55 = vector.broadcast %jit3A : i32 to vector<256x128xi32>
    %select_n3A = arith.select %ge3A_54, %iota3A, %broadcast_in_dim3A_55 : vector<256x128xi1>, vector<256x128xi32>
    %reduce_min3A = arith.constant dense<2147483647> : vector<256xi32>
    %reduce_min3A_56 = vector.multi_reduction <minsi>, %select_n3A, %reduce_min3A [1] : vector<256x128xi32> to vector<256xi32>
    %broadcast_in_dim3A_57 = vector.shape_cast %reduce_min3A_56 : vector<256xi32> to vector<256x1xi32>
    %swap3A_58 = arith.constant 0 : index
    %swap3A_59 = arith.constant 0 : index
    %swap3A_60 = vector.load %arg10[%swap3A_58, %swap3A_59] : memref<256x1xi32, #tpu.memory_space<vmem>>, vector<256x1xi32>
    tpu.vector_store %arg10[%swap3A_58, %swap3A_59], %broadcast_in_dim3A_57 {strides = array<i32>} : memref<256x1xi32, #tpu.memory_space<vmem>>, vector<256x1xi32>,
    return
  }
  func.func @transform_0(%arg0: i32) -> (i32, i32) {
    %c0_i32 = arith.constant 0 : i32
    %c0_i32_0 = arith.constant 0 : i32
    return %arg0, %c0_i32 : i32, i32
  }
  func.func @transform_1(%arg0: i32) -> (i32, i32) {
    %c0_i32 = arith.constant 0 : i32
    %c0_i32_0 = arith.constant 0 : i32
    return %arg0, %c0_i32 : i32, i32
  }
  func.func @transform_2(%arg0: i32) -> (i32, i32) {
    %c0_i32 = arith.constant 0 : i32
    %c0_i32_0 = arith.constant 0 : i32
    %c0_i32_1 = arith.constant 0 : i32
    return %c0_i32, %c0_i32_0 : i32, i32
  }
  func.func @transform_3(%arg0: i32) -> (i32, i32) {
    %c0_i32 = arith.constant 0 : i32
    %c0_i32_0 = arith.constant 0 : i32
    %c0_i32_1 = arith.constant 0 : i32
    return %c0_i32, %c0_i32_0 : i32, i32
  }
  func.func @transform_4(%arg0: i32) -> (i32, i32) {
    %c0_i32 = arith.constant 0 : i32
    %c0_i32_0 = arith.constant 0 : i32
    %c0_i32_1 = arith.constant 0 : i32
    return %c0_i32, %c0_i32_0 : i32, i32
  }
  func.func @transform_5(%arg0: i32) -> (i32, i32) {
    %c0_i32 = arith.constant 0 : i32
    %c0_i32_0 = arith.constant 0 : i32
    %c0_i32_1 = arith.constant 0 : i32
    return %c0_i32, %c0_i32_0 : i32, i32
  }
  func.func @transform_6(%arg0: i32) -> (i32, i32) {
    %c0_i32 = arith.constant 0 : i32
    %c0_i32_0 = arith.constant 0 : i32
    %c0_i32_1 = arith.constant 0 : i32
    return %c0_i32, %c0_i32_0 : i32, i32
  }
  func.func @transform_7(%arg0: i32) -> (i32, i32) {
    %c0_i32 = arith.constant 0 : i32
    %c0_i32_0 = arith.constant 0 : i32
    %c0_i32_1 = arith.constant 0 : i32
    return %c0_i32, %c0_i32_0 : i32, i32
  }
  func.func @transform_8(%arg0: i32) -> (i32, i32) {
    %c0_i32 = arith.constant 0 : i32
    %c0_i32_0 = arith.constant 0 : i32
    return %arg0, %c0_i32 : i32, i32
  }
  func.func @transform_9(%arg0: i32) -> (i32, i32) {
    %c0_i32 = arith.constant 0 : i32
    %c0_i32_0 = arith.constant 0 : i32
    return %arg0, %c0_i32 : i32, i32
  }
}

module attributes {stable_mosaic.version = 14 : i64} {
  func.func @_route_body(%arg0: memref<2048x1xi32, #tpu.memory_space<vmem>>, %arg1: memref<2048x1xi32, #tpu.memory_space<vmem>>, %arg2: memref<1x128xi32, #tpu.memory_space<vmem>>) attributes {dimension_semantics = [], scalar_prefetch = 0 : i64, scratch_operands = 0 : i64, tpu.core_type = #tpu.core_type<tc>} {
    %get3A = arith.constant 0 : index
    %get3A_0 = arith.constant 0 : index
    %get3A_1 = vector.load %arg0[%get3A, %get3A_0] : memref<2048x1xi32, #tpu.memory_space<vmem>>, vector<2048x1xi32>
    %iota3A = tpu.iota {dimensions = array<i32: 1>} : vector<2048x8xi32>
    %eq3A = vector.broadcast %get3A_1 : vector<2048x1xi32> to vector<2048x8xi32>
    %eq3A_2 = arith.cmpi eq, %eq3A, %iota3A : vector<2048x8xi32>
    %convert_element_type3A = arith.extui %eq3A_2 : vector<2048x8xi1> to vector<2048x8xi32>
    %convert_element_type3A_3 = arith.sitofp %convert_element_type3A : vector<2048x8xi32> to vector<2048x8xf32>
    %broadcast_in_dim3A = arith.constant 0.000000e+00 : f32
    %broadcast_in_dim3A_4 = vector.broadcast %broadcast_in_dim3A : f32 to vector<1x8xf32>
    %slice3A = vector.extract_strided_slice %convert_element_type3A_3 {offsets = [0, 0], sizes = [2047, 8], strides = [1, 1]} : vector<2048x8xf32> to vector<2047x8xf32>
    %concatenate3A = tpu.concatenate %broadcast_in_dim3A_4, %slice3A in 0 : vector<1x8xf32>, vector<2047x8xf32> -> vector<2048x8xf32>
    %add3A = arith.addf %convert_element_type3A_3, %concatenate3A : vector<2048x8xf32>
    %broadcast_in_dim3A_5 = arith.constant 0.000000e+00 : f32
    %broadcast_in_dim3A_6 = vector.broadcast %broadcast_in_dim3A_5 : f32 to vector<2x8xf32>
    %slice3A_7 = vector.extract_strided_slice %add3A {offsets = [0, 0], sizes = [2046, 8], strides = [1, 1]} : vector<2048x8xf32> to vector<2046x8xf32>
    %concatenate3A_8 = tpu.concatenate %broadcast_in_dim3A_6, %slice3A_7 in 0 : vector<2x8xf32>, vector<2046x8xf32> -> vector<2048x8xf32>
    %add3A_9 = arith.addf %add3A, %concatenate3A_8 : vector<2048x8xf32>
    %broadcast_in_dim3A_10 = arith.constant 0.000000e+00 : f32
    %broadcast_in_dim3A_11 = vector.broadcast %broadcast_in_dim3A_10 : f32 to vector<4x8xf32>
    %slice3A_12 = vector.extract_strided_slice %add3A_9 {offsets = [0, 0], sizes = [2044, 8], strides = [1, 1]} : vector<2048x8xf32> to vector<2044x8xf32>
    %concatenate3A_13 = tpu.concatenate %broadcast_in_dim3A_11, %slice3A_12 in 0 : vector<4x8xf32>, vector<2044x8xf32> -> vector<2048x8xf32>
    %add3A_14 = arith.addf %add3A_9, %concatenate3A_13 : vector<2048x8xf32>
    %broadcast_in_dim3A_15 = arith.constant 0.000000e+00 : f32
    %broadcast_in_dim3A_16 = vector.broadcast %broadcast_in_dim3A_15 : f32 to vector<8x8xf32>
    %slice3A_17 = vector.extract_strided_slice %add3A_14 {offsets = [0, 0], sizes = [2040, 8], strides = [1, 1]} : vector<2048x8xf32> to vector<2040x8xf32>
    %concatenate3A_18 = tpu.concatenate %broadcast_in_dim3A_16, %slice3A_17 in 0 : vector<8x8xf32>, vector<2040x8xf32> -> vector<2048x8xf32>
    %add3A_19 = arith.addf %add3A_14, %concatenate3A_18 : vector<2048x8xf32>
    %broadcast_in_dim3A_20 = arith.constant 0.000000e+00 : f32
    %broadcast_in_dim3A_21 = vector.broadcast %broadcast_in_dim3A_20 : f32 to vector<16x8xf32>
    %slice3A_22 = vector.extract_strided_slice %add3A_19 {offsets = [0, 0], sizes = [2032, 8], strides = [1, 1]} : vector<2048x8xf32> to vector<2032x8xf32>
    %concatenate3A_23 = tpu.concatenate %broadcast_in_dim3A_21, %slice3A_22 in 0 : vector<16x8xf32>, vector<2032x8xf32> -> vector<2048x8xf32>
    %add3A_24 = arith.addf %add3A_19, %concatenate3A_23 : vector<2048x8xf32>
    %broadcast_in_dim3A_25 = arith.constant 0.000000e+00 : f32
    %broadcast_in_dim3A_26 = vector.broadcast %broadcast_in_dim3A_25 : f32 to vector<32x8xf32>
    %slice3A_27 = vector.extract_strided_slice %add3A_24 {offsets = [0, 0], sizes = [2016, 8], strides = [1, 1]} : vector<2048x8xf32> to vector<2016x8xf32>
    %concatenate3A_28 = tpu.concatenate %broadcast_in_dim3A_26, %slice3A_27 in 0 : vector<32x8xf32>, vector<2016x8xf32> -> vector<2048x8xf32>
    %add3A_29 = arith.addf %add3A_24, %concatenate3A_28 : vector<2048x8xf32>
    %broadcast_in_dim3A_30 = arith.constant 0.000000e+00 : f32
    %broadcast_in_dim3A_31 = vector.broadcast %broadcast_in_dim3A_30 : f32 to vector<64x8xf32>
    %slice3A_32 = vector.extract_strided_slice %add3A_29 {offsets = [0, 0], sizes = [1984, 8], strides = [1, 1]} : vector<2048x8xf32> to vector<1984x8xf32>
    %concatenate3A_33 = tpu.concatenate %broadcast_in_dim3A_31, %slice3A_32 in 0 : vector<64x8xf32>, vector<1984x8xf32> -> vector<2048x8xf32>
    %add3A_34 = arith.addf %add3A_29, %concatenate3A_33 : vector<2048x8xf32>
    %broadcast_in_dim3A_35 = arith.constant 0.000000e+00 : f32
    %broadcast_in_dim3A_36 = vector.broadcast %broadcast_in_dim3A_35 : f32 to vector<128x8xf32>
    %slice3A_37 = vector.extract_strided_slice %add3A_34 {offsets = [0, 0], sizes = [1920, 8], strides = [1, 1]} : vector<2048x8xf32> to vector<1920x8xf32>
    %concatenate3A_38 = tpu.concatenate %broadcast_in_dim3A_36, %slice3A_37 in 0 : vector<128x8xf32>, vector<1920x8xf32> -> vector<2048x8xf32>
    %add3A_39 = arith.addf %add3A_34, %concatenate3A_38 : vector<2048x8xf32>
    %broadcast_in_dim3A_40 = arith.constant 0.000000e+00 : f32
    %broadcast_in_dim3A_41 = vector.broadcast %broadcast_in_dim3A_40 : f32 to vector<256x8xf32>
    %slice3A_42 = vector.extract_strided_slice %add3A_39 {offsets = [0, 0], sizes = [1792, 8], strides = [1, 1]} : vector<2048x8xf32> to vector<1792x8xf32>
    %concatenate3A_43 = tpu.concatenate %broadcast_in_dim3A_41, %slice3A_42 in 0 : vector<256x8xf32>, vector<1792x8xf32> -> vector<2048x8xf32>
    %add3A_44 = arith.addf %add3A_39, %concatenate3A_43 : vector<2048x8xf32>
    %broadcast_in_dim3A_45 = arith.constant 0.000000e+00 : f32
    %broadcast_in_dim3A_46 = vector.broadcast %broadcast_in_dim3A_45 : f32 to vector<512x8xf32>
    %slice3A_47 = vector.extract_strided_slice %add3A_44 {offsets = [0, 0], sizes = [1536, 8], strides = [1, 1]} : vector<2048x8xf32> to vector<1536x8xf32>
    %concatenate3A_48 = tpu.concatenate %broadcast_in_dim3A_46, %slice3A_47 in 0 : vector<512x8xf32>, vector<1536x8xf32> -> vector<2048x8xf32>
    %add3A_49 = arith.addf %add3A_44, %concatenate3A_48 : vector<2048x8xf32>
    %broadcast_in_dim3A_50 = arith.constant 0.000000e+00 : f32
    %broadcast_in_dim3A_51 = vector.broadcast %broadcast_in_dim3A_50 : f32 to vector<1024x8xf32>
    %slice3A_52 = vector.extract_strided_slice %add3A_49 {offsets = [0, 0], sizes = [1024, 8], strides = [1, 1]} : vector<2048x8xf32> to vector<1024x8xf32>
    %concatenate3A_53 = tpu.concatenate %broadcast_in_dim3A_51, %slice3A_52 in 0 : vector<1024x8xf32>, vector<1024x8xf32> -> vector<2048x8xf32>
    %add3A_54 = arith.addf %add3A_49, %concatenate3A_53 : vector<2048x8xf32>
    %sub3A = arith.subf %add3A_54, %convert_element_type3A_3 : vector<2048x8xf32>
    %mul3A = arith.mulf %convert_element_type3A_3, %sub3A : vector<2048x8xf32>
    %reduce_sum3A = arith.constant dense<0.000000e+00> : vector<2048xf32>
    %reduce_sum3A_55 = vector.multi_reduction <add>, %mul3A, %reduce_sum3A [1] : vector<2048x8xf32> to vector<2048xf32>
    %broadcast_in_dim3A_56 = vector.shape_cast %reduce_sum3A_55 : vector<2048xf32> to vector<2048x1xf32>
    %broadcast_in_dim3A_57 = arith.constant 0.000000e+00 : f32
    %broadcast_in_dim3A_58 = vector.broadcast %broadcast_in_dim3A_57 : f32 to vector<2048x1xf32>
    %iota3A_59 = tpu.iota {dimensions = array<i32: 1>} : vector<1x128xi32>
    %convert_element_type3A_60 = arith.sitofp %iota3A_59 : vector<1x128xi32> to vector<1x128xf32>
    %mul3A_61 = arith.constant 1.280000e+02 : f32
    %mul3A_62 = vector.broadcast %mul3A_61 : f32 to vector<1x128xf32>
    %mul3A_63 = arith.mulf %convert_element_type3A_60, %mul3A_62 : vector<1x128xf32>
    %broadcast_in_dim3A_64 = arith.constant 0.000000e+00 : f32
    %broadcast_in_dim3A_65 = vector.broadcast %broadcast_in_dim3A_64 : f32 to vector<1x128xf32>
    %slice3A_66 = vector.extract_strided_slice %convert_element_type3A_3 {offsets = [0, 0], sizes = [2048, 1], strides = [1, 1]} : vector<2048x8xf32> to vector<2048x1xf32>
    %reduce_sum3A_67 = vector.shape_cast %slice3A_66 : vector<2048x1xf32> to vector<1x2048x1xf32>
    %reduce_sum3A_68 = arith.constant dense<0.000000e+00> : vector<1xf32>
    %reduce_sum3A_69 = vector.multi_reduction <add>, %reduce_sum3A_67, %reduce_sum3A_68 [1, 2] : vector<1x2048x1xf32> to vector<1xf32>
    %reduce_sum3A_70 = vector.shape_cast %reduce_sum3A_69 : vector<1xf32> to vector<1x1x1xf32>
    %reduce_sum3A_71 = vector.extract %reduce_sum3A_70[0, 0, 0] : f32 from vector<1x1x1xf32>
    %div3A = arith.constant 1.280000e+02 : f32
    %div3A_72 = arith.divf %reduce_sum3A_71, %div3A : f32
    %ceil3A = math.ceil %div3A_72 : f32
    %mul3A_73 = arith.constant 1.280000e+02 : f32
    %mul3A_74 = arith.mulf %ceil3A, %mul3A_73 : f32
    %slice3A_75 = vector.extract_strided_slice %convert_element_type3A_3 {offsets = [0, 0], sizes = [2048, 1], strides = [1, 1]} : vector<2048x8xf32> to vector<2048x1xf32>
    %mul3A_76 = arith.constant 0.000000e+00 : f32
    %mul3A_77 = vector.broadcast %mul3A_76 : f32 to vector<2048x1xf32>
    %mul3A_78 = arith.mulf %slice3A_75, %mul3A_77 : vector<2048x1xf32>
    %add3A_79 = arith.addf %broadcast_in_dim3A_58, %mul3A_78 : vector<2048x1xf32>
    %add3A_80 = arith.constant 0.000000e+00 : f32
    %add3A_81 = arith.addf %add3A_80, %mul3A_74 : f32
    %ge3A = vector.broadcast %add3A_81 : f32 to vector<1x128xf32>
    %ge3A_82 = arith.cmpf oge, %mul3A_63, %ge3A : vector<1x128xf32>
    %jit3A = arith.constant 1.000000e+00 : f32
    %jit3A_83 = arith.constant 0.000000e+00 : f32
    %broadcast_in_dim3A_84 = vector.broadcast %jit3A : f32 to vector<1x128xf32>
    %broadcast_in_dim3A_85 = vector.broadcast %jit3A_83 : f32 to vector<1x128xf32>
    %select_n3A = arith.select %ge3A_82, %broadcast_in_dim3A_84, %broadcast_in_dim3A_85 : vector<1x128xi1>, vector<1x128xf32>
    %add3A_86 = arith.addf %broadcast_in_dim3A_65, %select_n3A : vector<1x128xf32>
    %slice3A_87 = vector.extract_strided_slice %convert_element_type3A_3 {offsets = [0, 1], sizes = [2048, 1], strides = [1, 1]} : vector<2048x8xf32> to vector<2048x1xf32>
    %reduce_sum3A_88 = vector.shape_cast %slice3A_87 : vector<2048x1xf32> to vector<1x2048x1xf32>
    %reduce_sum3A_89 = arith.constant dense<0.000000e+00> : vector<1xf32>
    %reduce_sum3A_90 = vector.multi_reduction <add>, %reduce_sum3A_88, %reduce_sum3A_89 [1, 2] : vector<1x2048x1xf32> to vector<1xf32>
    %reduce_sum3A_91 = vector.shape_cast %reduce_sum3A_90 : vector<1xf32> to vector<1x1x1xf32>
    %reduce_sum3A_92 = vector.extract %reduce_sum3A_91[0, 0, 0] : f32 from vector<1x1x1xf32>
    %div3A_93 = arith.constant 1.280000e+02 : f32
    %div3A_94 = arith.divf %reduce_sum3A_92, %div3A_93 : f32
    %ceil3A_95 = math.ceil %div3A_94 : f32
    %mul3A_96 = arith.constant 1.280000e+02 : f32
    %mul3A_97 = arith.mulf %ceil3A_95, %mul3A_96 : f32
    %slice3A_98 = vector.extract_strided_slice %convert_element_type3A_3 {offsets = [0, 1], sizes = [2048, 1], strides = [1, 1]} : vector<2048x8xf32> to vector<2048x1xf32>
    %mul3A_99 = vector.broadcast %add3A_81 : f32 to vector<2048x1xf32>
    %mul3A_100 = arith.mulf %slice3A_98, %mul3A_99 : vector<2048x1xf32>
    %add3A_101 = arith.addf %add3A_79, %mul3A_100 : vector<2048x1xf32>
    %add3A_102 = arith.addf %add3A_81, %mul3A_97 : f32
    %ge3A_103 = vector.broadcast %add3A_102 : f32 to vector<1x128xf32>
    %ge3A_104 = arith.cmpf oge, %mul3A_63, %ge3A_103 : vector<1x128xf32>
    %jit3A_105 = arith.constant 1.000000e+00 : f32
    %jit3A_106 = arith.constant 0.000000e+00 : f32
    %broadcast_in_dim3A_107 = vector.broadcast %jit3A_105 : f32 to vector<1x128xf32>
    %broadcast_in_dim3A_108 = vector.broadcast %jit3A_106 : f32 to vector<1x128xf32>
    %select_n3A_109 = arith.select %ge3A_104, %broadcast_in_dim3A_107, %broadcast_in_dim3A_108 : vector<1x128xi1>, vector<1x128xf32>
    %add3A_110 = arith.addf %add3A_86, %select_n3A_109 : vector<1x128xf32>
    %slice3A_111 = vector.extract_strided_slice %convert_element_type3A_3 {offsets = [0, 2], sizes = [2048, 1], strides = [1, 1]} : vector<2048x8xf32> to vector<2048x1xf32>
    %reduce_sum3A_112 = vector.shape_cast %slice3A_111 : vector<2048x1xf32> to vector<1x2048x1xf32>
    %reduce_sum3A_113 = arith.constant dense<0.000000e+00> : vector<1xf32>
    %reduce_sum3A_114 = vector.multi_reduction <add>, %reduce_sum3A_112, %reduce_sum3A_113 [1, 2] : vector<1x2048x1xf32> to vector<1xf32>
    %reduce_sum3A_115 = vector.shape_cast %reduce_sum3A_114 : vector<1xf32> to vector<1x1x1xf32>
    %reduce_sum3A_116 = vector.extract %reduce_sum3A_115[0, 0, 0] : f32 from vector<1x1x1xf32>
    %div3A_117 = arith.constant 1.280000e+02 : f32
    %div3A_118 = arith.divf %reduce_sum3A_116, %div3A_117 : f32
    %ceil3A_119 = math.ceil %div3A_118 : f32
    %mul3A_120 = arith.constant 1.280000e+02 : f32
    %mul3A_121 = arith.mulf %ceil3A_119, %mul3A_120 : f32
    %slice3A_122 = vector.extract_strided_slice %convert_element_type3A_3 {offsets = [0, 2], sizes = [2048, 1], strides = [1, 1]} : vector<2048x8xf32> to vector<2048x1xf32>
    %mul3A_123 = vector.broadcast %add3A_102 : f32 to vector<2048x1xf32>
    %mul3A_124 = arith.mulf %slice3A_122, %mul3A_123 : vector<2048x1xf32>
    %add3A_125 = arith.addf %add3A_101, %mul3A_124 : vector<2048x1xf32>
    %add3A_126 = arith.addf %add3A_102, %mul3A_121 : f32
    %ge3A_127 = vector.broadcast %add3A_126 : f32 to vector<1x128xf32>
    %ge3A_128 = arith.cmpf oge, %mul3A_63, %ge3A_127 : vector<1x128xf32>
    %jit3A_129 = arith.constant 1.000000e+00 : f32
    %jit3A_130 = arith.constant 0.000000e+00 : f32
    %broadcast_in_dim3A_131 = vector.broadcast %jit3A_129 : f32 to vector<1x128xf32>
    %broadcast_in_dim3A_132 = vector.broadcast %jit3A_130 : f32 to vector<1x128xf32>
    %select_n3A_133 = arith.select %ge3A_128, %broadcast_in_dim3A_131, %broadcast_in_dim3A_132 : vector<1x128xi1>, vector<1x128xf32>
    %add3A_134 = arith.addf %add3A_110, %select_n3A_133 : vector<1x128xf32>
    %slice3A_135 = vector.extract_strided_slice %convert_element_type3A_3 {offsets = [0, 3], sizes = [2048, 1], strides = [1, 1]} : vector<2048x8xf32> to vector<2048x1xf32>
    %reduce_sum3A_136 = vector.shape_cast %slice3A_135 : vector<2048x1xf32> to vector<1x2048x1xf32>
    %reduce_sum3A_137 = arith.constant dense<0.000000e+00> : vector<1xf32>
    %reduce_sum3A_138 = vector.multi_reduction <add>, %reduce_sum3A_136, %reduce_sum3A_137 [1, 2] : vector<1x2048x1xf32> to vector<1xf32>
    %reduce_sum3A_139 = vector.shape_cast %reduce_sum3A_138 : vector<1xf32> to vector<1x1x1xf32>
    %reduce_sum3A_140 = vector.extract %reduce_sum3A_139[0, 0, 0] : f32 from vector<1x1x1xf32>
    %div3A_141 = arith.constant 1.280000e+02 : f32
    %div3A_142 = arith.divf %reduce_sum3A_140, %div3A_141 : f32
    %ceil3A_143 = math.ceil %div3A_142 : f32
    %mul3A_144 = arith.constant 1.280000e+02 : f32
    %mul3A_145 = arith.mulf %ceil3A_143, %mul3A_144 : f32
    %slice3A_146 = vector.extract_strided_slice %convert_element_type3A_3 {offsets = [0, 3], sizes = [2048, 1], strides = [1, 1]} : vector<2048x8xf32> to vector<2048x1xf32>
    %mul3A_147 = vector.broadcast %add3A_126 : f32 to vector<2048x1xf32>
    %mul3A_148 = arith.mulf %slice3A_146, %mul3A_147 : vector<2048x1xf32>
    %add3A_149 = arith.addf %add3A_125, %mul3A_148 : vector<2048x1xf32>
    %add3A_150 = arith.addf %add3A_126, %mul3A_145 : f32
    %ge3A_151 = vector.broadcast %add3A_150 : f32 to vector<1x128xf32>
    %ge3A_152 = arith.cmpf oge, %mul3A_63, %ge3A_151 : vector<1x128xf32>
    %jit3A_153 = arith.constant 1.000000e+00 : f32
    %jit3A_154 = arith.constant 0.000000e+00 : f32
    %broadcast_in_dim3A_155 = vector.broadcast %jit3A_153 : f32 to vector<1x128xf32>
    %broadcast_in_dim3A_156 = vector.broadcast %jit3A_154 : f32 to vector<1x128xf32>
    %select_n3A_157 = arith.select %ge3A_152, %broadcast_in_dim3A_155, %broadcast_in_dim3A_156 : vector<1x128xi1>, vector<1x128xf32>
    %add3A_158 = arith.addf %add3A_134, %select_n3A_157 : vector<1x128xf32>
    %slice3A_159 = vector.extract_strided_slice %convert_element_type3A_3 {offsets = [0, 4], sizes = [2048, 1], strides = [1, 1]} : vector<2048x8xf32> to vector<2048x1xf32>
    %reduce_sum3A_160 = vector.shape_cast %slice3A_159 : vector<2048x1xf32> to vector<1x2048x1xf32>
    %reduce_sum3A_161 = arith.constant dense<0.000000e+00> : vector<1xf32>
    %reduce_sum3A_162 = vector.multi_reduction <add>, %reduce_sum3A_160, %reduce_sum3A_161 [1, 2] : vector<1x2048x1xf32> to vector<1xf32>
    %reduce_sum3A_163 = vector.shape_cast %reduce_sum3A_162 : vector<1xf32> to vector<1x1x1xf32>
    %reduce_sum3A_164 = vector.extract %reduce_sum3A_163[0, 0, 0] : f32 from vector<1x1x1xf32>
    %div3A_165 = arith.constant 1.280000e+02 : f32
    %div3A_166 = arith.divf %reduce_sum3A_164, %div3A_165 : f32
    %ceil3A_167 = math.ceil %div3A_166 : f32
    %mul3A_168 = arith.constant 1.280000e+02 : f32
    %mul3A_169 = arith.mulf %ceil3A_167, %mul3A_168 : f32
    %slice3A_170 = vector.extract_strided_slice %convert_element_type3A_3 {offsets = [0, 4], sizes = [2048, 1], strides = [1, 1]} : vector<2048x8xf32> to vector<2048x1xf32>
    %mul3A_171 = vector.broadcast %add3A_150 : f32 to vector<2048x1xf32>
    %mul3A_172 = arith.mulf %slice3A_170, %mul3A_171 : vector<2048x1xf32>
    %add3A_173 = arith.addf %add3A_149, %mul3A_172 : vector<2048x1xf32>
    %add3A_174 = arith.addf %add3A_150, %mul3A_169 : f32
    %ge3A_175 = vector.broadcast %add3A_174 : f32 to vector<1x128xf32>
    %ge3A_176 = arith.cmpf oge, %mul3A_63, %ge3A_175 : vector<1x128xf32>
    %jit3A_177 = arith.constant 1.000000e+00 : f32
    %jit3A_178 = arith.constant 0.000000e+00 : f32
    %broadcast_in_dim3A_179 = vector.broadcast %jit3A_177 : f32 to vector<1x128xf32>
    %broadcast_in_dim3A_180 = vector.broadcast %jit3A_178 : f32 to vector<1x128xf32>
    %select_n3A_181 = arith.select %ge3A_176, %broadcast_in_dim3A_179, %broadcast_in_dim3A_180 : vector<1x128xi1>, vector<1x128xf32>
    %add3A_182 = arith.addf %add3A_158, %select_n3A_181 : vector<1x128xf32>
    %slice3A_183 = vector.extract_strided_slice %convert_element_type3A_3 {offsets = [0, 5], sizes = [2048, 1], strides = [1, 1]} : vector<2048x8xf32> to vector<2048x1xf32>
    %reduce_sum3A_184 = vector.shape_cast %slice3A_183 : vector<2048x1xf32> to vector<1x2048x1xf32>
    %reduce_sum3A_185 = arith.constant dense<0.000000e+00> : vector<1xf32>
    %reduce_sum3A_186 = vector.multi_reduction <add>, %reduce_sum3A_184, %reduce_sum3A_185 [1, 2] : vector<1x2048x1xf32> to vector<1xf32>
    %reduce_sum3A_187 = vector.shape_cast %reduce_sum3A_186 : vector<1xf32> to vector<1x1x1xf32>
    %reduce_sum3A_188 = vector.extract %reduce_sum3A_187[0, 0, 0] : f32 from vector<1x1x1xf32>
    %div3A_189 = arith.constant 1.280000e+02 : f32
    %div3A_190 = arith.divf %reduce_sum3A_188, %div3A_189 : f32
    %ceil3A_191 = math.ceil %div3A_190 : f32
    %mul3A_192 = arith.constant 1.280000e+02 : f32
    %mul3A_193 = arith.mulf %ceil3A_191, %mul3A_192 : f32
    %slice3A_194 = vector.extract_strided_slice %convert_element_type3A_3 {offsets = [0, 5], sizes = [2048, 1], strides = [1, 1]} : vector<2048x8xf32> to vector<2048x1xf32>
    %mul3A_195 = vector.broadcast %add3A_174 : f32 to vector<2048x1xf32>
    %mul3A_196 = arith.mulf %slice3A_194, %mul3A_195 : vector<2048x1xf32>
    %add3A_197 = arith.addf %add3A_173, %mul3A_196 : vector<2048x1xf32>
    %add3A_198 = arith.addf %add3A_174, %mul3A_193 : f32
    %ge3A_199 = vector.broadcast %add3A_198 : f32 to vector<1x128xf32>
    %ge3A_200 = arith.cmpf oge, %mul3A_63, %ge3A_199 : vector<1x128xf32>
    %jit3A_201 = arith.constant 1.000000e+00 : f32
    %jit3A_202 = arith.constant 0.000000e+00 : f32
    %broadcast_in_dim3A_203 = vector.broadcast %jit3A_201 : f32 to vector<1x128xf32>
    %broadcast_in_dim3A_204 = vector.broadcast %jit3A_202 : f32 to vector<1x128xf32>
    %select_n3A_205 = arith.select %ge3A_200, %broadcast_in_dim3A_203, %broadcast_in_dim3A_204 : vector<1x128xi1>, vector<1x128xf32>
    %add3A_206 = arith.addf %add3A_182, %select_n3A_205 : vector<1x128xf32>
    %slice3A_207 = vector.extract_strided_slice %convert_element_type3A_3 {offsets = [0, 6], sizes = [2048, 1], strides = [1, 1]} : vector<2048x8xf32> to vector<2048x1xf32>
    %reduce_sum3A_208 = vector.shape_cast %slice3A_207 : vector<2048x1xf32> to vector<1x2048x1xf32>
    %reduce_sum3A_209 = arith.constant dense<0.000000e+00> : vector<1xf32>
    %reduce_sum3A_210 = vector.multi_reduction <add>, %reduce_sum3A_208, %reduce_sum3A_209 [1, 2] : vector<1x2048x1xf32> to vector<1xf32>
    %reduce_sum3A_211 = vector.shape_cast %reduce_sum3A_210 : vector<1xf32> to vector<1x1x1xf32>
    %reduce_sum3A_212 = vector.extract %reduce_sum3A_211[0, 0, 0] : f32 from vector<1x1x1xf32>
    %div3A_213 = arith.constant 1.280000e+02 : f32
    %div3A_214 = arith.divf %reduce_sum3A_212, %div3A_213 : f32
    %ceil3A_215 = math.ceil %div3A_214 : f32
    %mul3A_216 = arith.constant 1.280000e+02 : f32
    %mul3A_217 = arith.mulf %ceil3A_215, %mul3A_216 : f32
    %slice3A_218 = vector.extract_strided_slice %convert_element_type3A_3 {offsets = [0, 6], sizes = [2048, 1], strides = [1, 1]} : vector<2048x8xf32> to vector<2048x1xf32>
    %mul3A_219 = vector.broadcast %add3A_198 : f32 to vector<2048x1xf32>
    %mul3A_220 = arith.mulf %slice3A_218, %mul3A_219 : vector<2048x1xf32>
    %add3A_221 = arith.addf %add3A_197, %mul3A_220 : vector<2048x1xf32>
    %add3A_222 = arith.addf %add3A_198, %mul3A_217 : f32
    %ge3A_223 = vector.broadcast %add3A_222 : f32 to vector<1x128xf32>
    %ge3A_224 = arith.cmpf oge, %mul3A_63, %ge3A_223 : vector<1x128xf32>
    %jit3A_225 = arith.constant 1.000000e+00 : f32
    %jit3A_226 = arith.constant 0.000000e+00 : f32
    %broadcast_in_dim3A_227 = vector.broadcast %jit3A_225 : f32 to vector<1x128xf32>
    %broadcast_in_dim3A_228 = vector.broadcast %jit3A_226 : f32 to vector<1x128xf32>
    %select_n3A_229 = arith.select %ge3A_224, %broadcast_in_dim3A_227, %broadcast_in_dim3A_228 : vector<1x128xi1>, vector<1x128xf32>
    %add3A_230 = arith.addf %add3A_206, %select_n3A_229 : vector<1x128xf32>
    %slice3A_231 = vector.extract_strided_slice %convert_element_type3A_3 {offsets = [0, 7], sizes = [2048, 1], strides = [1, 1]} : vector<2048x8xf32> to vector<2048x1xf32>
    %reduce_sum3A_232 = vector.shape_cast %slice3A_231 : vector<2048x1xf32> to vector<1x2048x1xf32>
    %reduce_sum3A_233 = arith.constant dense<0.000000e+00> : vector<1xf32>
    %reduce_sum3A_234 = vector.multi_reduction <add>, %reduce_sum3A_232, %reduce_sum3A_233 [1, 2] : vector<1x2048x1xf32> to vector<1xf32>
    %reduce_sum3A_235 = vector.shape_cast %reduce_sum3A_234 : vector<1xf32> to vector<1x1x1xf32>
    %reduce_sum3A_236 = vector.extract %reduce_sum3A_235[0, 0, 0] : f32 from vector<1x1x1xf32>
    %div3A_237 = arith.constant 1.280000e+02 : f32
    %div3A_238 = arith.divf %reduce_sum3A_236, %div3A_237 : f32
    %ceil3A_239 = math.ceil %div3A_238 : f32
    %mul3A_240 = arith.constant 1.280000e+02 : f32
    %mul3A_241 = arith.mulf %ceil3A_239, %mul3A_240 : f32
    %slice3A_242 = vector.extract_strided_slice %convert_element_type3A_3 {offsets = [0, 7], sizes = [2048, 1], strides = [1, 1]} : vector<2048x8xf32> to vector<2048x1xf32>
    %mul3A_243 = vector.broadcast %add3A_222 : f32 to vector<2048x1xf32>
    %mul3A_244 = arith.mulf %slice3A_242, %mul3A_243 : vector<2048x1xf32>
    %add3A_245 = arith.addf %add3A_221, %mul3A_244 : vector<2048x1xf32>
    %add3A_246 = arith.addf %add3A_222, %mul3A_241 : f32
    %ge3A_247 = vector.broadcast %add3A_246 : f32 to vector<1x128xf32>
    %ge3A_248 = arith.cmpf oge, %mul3A_63, %ge3A_247 : vector<1x128xf32>
    %jit3A_249 = arith.constant 1.000000e+00 : f32
    %jit3A_250 = arith.constant 0.000000e+00 : f32
    %broadcast_in_dim3A_251 = vector.broadcast %jit3A_249 : f32 to vector<1x128xf32>
    %broadcast_in_dim3A_252 = vector.broadcast %jit3A_250 : f32 to vector<1x128xf32>
    %select_n3A_253 = arith.select %ge3A_248, %broadcast_in_dim3A_251, %broadcast_in_dim3A_252 : vector<1x128xi1>, vector<1x128xf32>
    %add3A_254 = arith.addf %add3A_230, %select_n3A_253 : vector<1x128xf32>
    %add3A_255 = arith.addf %add3A_245, %broadcast_in_dim3A_56 : vector<2048x1xf32>
    %convert_element_type3A_256 = arith.fptosi %add3A_255 : vector<2048x1xf32> to vector<2048x1xi32>
    %swap3A = arith.constant 0 : index
    %swap3A_257 = arith.constant 0 : index
    %swap3A_258 = vector.load %arg1[%swap3A, %swap3A_257] : memref<2048x1xi32, #tpu.memory_space<vmem>>, vector<2048x1xi32>
    tpu.vector_store %arg1[%swap3A, %swap3A_257], %convert_element_type3A_256 {strides = array<i32>} : memref<2048x1xi32, #tpu.memory_space<vmem>>, vector<2048x1xi32>,
    %min3A = arith.constant 7.000000e+00 : f32
    %min3A_259 = vector.broadcast %min3A : f32 to vector<1x128xf32>
    %min3A_260 = arith.minimumf %add3A_254, %min3A_259 : vector<1x128xf32>
    %convert_element_type3A_261 = arith.fptosi %min3A_260 : vector<1x128xf32> to vector<1x128xi32>
    %swap3A_262 = arith.constant 0 : index
    %swap3A_263 = arith.constant 0 : index
    %swap3A_264 = vector.load %arg2[%swap3A_262, %swap3A_263] : memref<1x128xi32, #tpu.memory_space<vmem>>, vector<1x128xi32>
    tpu.vector_store %arg2[%swap3A_262, %swap3A_263], %convert_element_type3A_261 {strides = array<i32>} : memref<1x128xi32, #tpu.memory_space<vmem>>, vector<1x128xi32>,
    return
  }
}

module attributes {stable_mosaic.version = 14 : i64} {
  func.func @_invperm_body(%arg0: i32, %arg1: memref<2048x1xi32, #tpu.memory_space<vmem>>, %arg2: memref<1x1x512xi32, #tpu.memory_space<vmem>>) attributes {dimension_semantics = [#tpu.dimension_semantics<arbitrary>], iteration_bounds = array<i64: 6>, scalar_prefetch = 0 : i64, scratch_operands = 0 : i64, tpu.core_type = #tpu.core_type<tc>, window_params = [{pipeline_mode = #tpu.pipeline_mode<synchronous>, transform_indices = @transform_0, window_bounds = array<i64: 2048, 1>}, {transform_indices = @transform_1, window_bounds = array<i64: 1, 1, 512>}]} {
    %get3A = arith.constant 0 : index
    %get3A_0 = arith.constant 0 : index
    %get3A_1 = vector.load %arg1[%get3A, %get3A_0] : memref<2048x1xi32, #tpu.memory_space<vmem>>, vector<2048x1xi32>
    %convert_element_type3A = arith.sitofp %get3A_1 : vector<2048x1xi32> to vector<2048x1xf32>
    %mul3A = arith.constant 512 : i32
    %mul3A_2 = arith.muli %arg0, %mul3A : i32
    %iota3A = tpu.iota {dimensions = array<i32: 1>} : vector<1x512xi32>
    %add3A = vector.broadcast %mul3A_2 : i32 to vector<1x512xi32>
    %add3A_3 = arith.addi %iota3A, %add3A : vector<1x512xi32>
    %convert_element_type3A_4 = arith.sitofp %add3A_3 : vector<1x512xi32> to vector<1x512xf32>
    %eq3A = vector.broadcast %convert_element_type3A : vector<2048x1xf32> to vector<2048x512xf32>
    %eq3A_5 = vector.broadcast %convert_element_type3A_4 : vector<1x512xf32> to vector<2048x512xf32>
    %eq3A_6 = arith.cmpf oeq, %eq3A, %eq3A_5 : vector<2048x512xf32>
    %jit3A = arith.constant 1.000000e+00 : f32
    %jit3A_7 = arith.constant 0.000000e+00 : f32
    %broadcast_in_dim3A = vector.broadcast %jit3A : f32 to vector<2048x512xf32>
    %broadcast_in_dim3A_8 = vector.broadcast %jit3A_7 : f32 to vector<2048x512xf32>
    %select_n3A = arith.select %eq3A_6, %broadcast_in_dim3A, %broadcast_in_dim3A_8 : vector<2048x512xi1>, vector<2048x512xf32>
    %iota3A_9 = tpu.iota {dimensions = array<i32: 0>} : vector<2048x1xi32>
    %convert_element_type3A_10 = arith.sitofp %iota3A_9 : vector<2048x1xi32> to vector<2048x1xf32>
    %mul3A_11 = vector.broadcast %convert_element_type3A_10 : vector<2048x1xf32> to vector<2048x512xf32>
    %mul3A_12 = arith.mulf %select_n3A, %mul3A_11 : vector<2048x512xf32>
    %reduce_sum3A = arith.constant dense<0.000000e+00> : vector<512xf32>
    %reduce_sum3A_13 = vector.multi_reduction <add>, %mul3A_12, %reduce_sum3A [0] : vector<2048x512xf32> to vector<512xf32>
    %broadcast_in_dim3A_14 = vector.shape_cast %reduce_sum3A_13 : vector<512xf32> to vector<1x512xf32>
    %reduce_sum3A_15 = arith.constant dense<0.000000e+00> : vector<512xf32>
    %reduce_sum3A_16 = vector.multi_reduction <add>, %select_n3A, %reduce_sum3A_15 [0] : vector<2048x512xf32> to vector<512xf32>
    %broadcast_in_dim3A_17 = vector.shape_cast %reduce_sum3A_16 : vector<512xf32> to vector<1x512xf32>
    %iota3A_18 = tpu.iota {dimensions = array<i32: 1>} : vector<1x512xi32>
    %mul3A_19 = arith.constant 512 : i32
    %mul3A_20 = arith.muli %arg0, %mul3A_19 : i32
    %add3A_21 = vector.broadcast %mul3A_20 : i32 to vector<1x512xi32>
    %add3A_22 = arith.addi %iota3A_18, %add3A_21 : vector<1x512xi32>
    %and3A = arith.constant 2047 : i32
    %and3A_23 = vector.broadcast %and3A : i32 to vector<1x512xi32>
    %and3A_24 = arith.andi %add3A_22, %and3A_23 : vector<1x512xi32>
    %gt3A = arith.constant 5.000000e-01 : f32
    %gt3A_25 = vector.broadcast %gt3A : f32 to vector<1x512xf32>
    %gt3A_26 = arith.cmpf ogt, %broadcast_in_dim3A_17, %gt3A_25 : vector<1x512xf32>
    %convert_element_type3A_27 = arith.fptosi %broadcast_in_dim3A_14 : vector<1x512xf32> to vector<1x512xi32>
    %select_n3A_28 = arith.select %gt3A_26, %convert_element_type3A_27, %and3A_24 : vector<1x512xi1>, vector<1x512xi32>
    %reshape3A = vector.shape_cast %select_n3A_28 : vector<1x512xi32> to vector<1x1x512xi32>
    %swap3A = arith.constant 0 : index
    %swap3A_29 = arith.constant 0 : index
    %swap3A_30 = arith.constant 0 : index
    %swap3A_31 = vector.load %arg2[%swap3A, %swap3A_29, %swap3A_30] : memref<1x1x512xi32, #tpu.memory_space<vmem>>, vector<1x1x512xi32>
    tpu.vector_store %arg2[%swap3A, %swap3A_29, %swap3A_30], %reshape3A {strides = array<i32>} : memref<1x1x512xi32, #tpu.memory_space<vmem>>, vector<1x1x512xi32>,
    return
  }
  func.func @transform_0(%arg0: i32) -> (i32, i32) {
    %c0_i32 = arith.constant 0 : i32
    %c0_i32_0 = arith.constant 0 : i32
    %c0_i32_1 = arith.constant 0 : i32
    return %c0_i32, %c0_i32_0 : i32, i32
  }
  func.func @transform_1(%arg0: i32) -> (i32, i32, i32) {
    %c0_i32 = arith.constant 0 : i32
    %c0_i32_0 = arith.constant 0 : i32
    %c0_i32_1 = arith.constant 0 : i32
    return %arg0, %c0_i32, %c0_i32_0 : i32, i32, i32
  }
}

module attributes {stable_mosaic.version = 14 : i64} {
  func.func @_ffn_body(%arg0: i32, %arg1: memref<23xi32, #tpu.memory_space<smem>>, %arg2: memref<128x768xf32, #tpu.memory_space<vmem>>, %arg3: memref<1x768x1536xf32, #tpu.memory_space<vmem>>, %arg4: memref<1x1x1536xf32, #tpu.memory_space<vmem>>, %arg5: memref<1x1536x768xf32, #tpu.memory_space<vmem>>, %arg6: memref<1x1x768xf32, #tpu.memory_space<vmem>>, %arg7: memref<128x768xf32, #tpu.memory_space<vmem>>) attributes {dimension_semantics = [#tpu.dimension_semantics<arbitrary>], iteration_bounds = array<i64: 23>, scalar_prefetch = 1 : i64, scratch_operands = 0 : i64, tpu.core_type = #tpu.core_type<tc>, window_params = [{transform_indices = @transform_0, window_bounds = array<i64: 128, 768>}, {transform_indices = @transform_1, window_bounds = array<i64: 1, 768, 1536>}, {transform_indices = @transform_2, window_bounds = array<i64: 1, 1, 1536>}, {transform_indices = @transform_3, window_bounds = array<i64: 1, 1536, 768>}, {transform_indices = @transform_4, window_bounds = array<i64: 1, 1, 768>}, {transform_indices = @transform_5, window_bounds = array<i64: 128, 768>}]} {
    %get3A = arith.index_cast %arg0 : i32 to index
    %get3A_0 = memref.load %arg1[%get3A] : memref<23xi32, #tpu.memory_space<smem>>
    %get3A_1 = arith.constant 0 : index
    %get3A_2 = arith.constant 0 : index
    %get3A_3 = vector.load %arg2[%get3A_1, %get3A_2] : memref<128x768xf32, #tpu.memory_space<vmem>>, vector<128x768xf32>
    %get3A_4 = arith.constant 0 : index
    %get3A_5 = arith.constant 0 : index
    %get3A_6 = arith.constant 0 : index
    %get3A_7 = vector.load %arg3[%get3A_4, %get3A_5, %get3A_6] : memref<1x768x1536xf32, #tpu.memory_space<vmem>>, vector<1x768x1536xf32>
    %get3A_8 = vector.shape_cast %get3A_7 : vector<1x768x1536xf32> to vector<768x1536xf32>
    %dot_general3A = arith.constant dense<0.000000e+00> : vector<128x1536xf32>
    %dot_general3A_9 = tpu.matmul %get3A_3, %get3A_8, %dot_general3A {dimension_numbers = #tpu.dot_dimension_numbers<[1], [0], [0], [1], [0, 0, 1, 1], [], []>, transpose_lhs_hint = false} : vector<128x768xf32>, vector<768x1536xf32>, vector<128x1536xf32> -> vector<128x1536xf32>
    %get3A_10 = arith.constant 0 : index
    %get3A_11 = arith.constant 0 : index
    %get3A_12 = arith.constant 0 : index
    %get3A_13 = vector.load %arg4[%get3A_10, %get3A_11, %get3A_12] : memref<1x1x1536xf32, #tpu.memory_space<vmem>>, vector<1x1x1536xf32>
    %get3A_14 = vector.shape_cast %get3A_13 : vector<1x1x1536xf32> to vector<1x1536xf32>
    %add3A = vector.broadcast %get3A_14 : vector<1x1536xf32> to vector<128x1536xf32>
    %add3A_15 = arith.addf %dot_general3A_9, %add3A : vector<128x1536xf32>
    %mul3A = arith.constant 5.000000e-01 : f32
    %mul3A_16 = vector.broadcast %mul3A : f32 to vector<128x1536xf32>
    %mul3A_17 = arith.mulf %mul3A_16, %add3A_15 : vector<128x1536xf32>
    %mul3A_18 = arith.constant 0.707106769 : f32
    %mul3A_19 = vector.broadcast %mul3A_18 : f32 to vector<128x1536xf32>
    %mul3A_20 = arith.mulf %add3A_15, %mul3A_19 : vector<128x1536xf32>
    %erf3A = math.erf %mul3A_20 : vector<128x1536xf32>
    %add3A_21 = arith.constant 1.000000e+00 : f32
    %add3A_22 = vector.broadcast %add3A_21 : f32 to vector<128x1536xf32>
    %add3A_23 = arith.addf %add3A_22, %erf3A : vector<128x1536xf32>
    %mul3A_24 = arith.mulf %mul3A_17, %add3A_23 : vector<128x1536xf32>
    %logistic3A = arith.negf %add3A_15 : vector<128x1536xf32>
    %logistic3A_25 = math.exp %logistic3A : vector<128x1536xf32>
    %logistic3A_26 = arith.constant 1.000000e+00 : f32
    %logistic3A_27 = vector.broadcast %logistic3A_26 : f32 to vector<128x1536xf32>
    %logistic3A_28 = arith.addf %logistic3A_27, %logistic3A_25 : vector<128x1536xf32>
    %logistic3A_29 = arith.divf %logistic3A_27, %logistic3A_28 : vector<128x1536xf32>
    %mul3A_30 = arith.mulf %add3A_15, %logistic3A_29 : vector<128x1536xf32>
    %jit3A = arith.constant 2 : i32
    %eq3A = arith.constant 0 : i32
    %eq3A_31 = arith.cmpi eq, %jit3A, %eq3A : i32
    %jit3A_32 = arith.constant 1 : i32
    %select_n3A = arith.select %eq3A_31, %jit3A_32, %jit3A : i32
    %rem3A = arith.remsi %get3A_0, %select_n3A : i32
    %ne3A = arith.constant 0 : i32
    %ne3A_33 = arith.cmpi ne, %rem3A, %ne3A : i32
    %lt3A = arith.constant 0 : i32
    %lt3A_34 = arith.cmpi slt, %rem3A, %lt3A : i32
    %lt3A_35 = arith.constant 0 : i32
    %lt3A_36 = arith.cmpi slt, %select_n3A, %lt3A_35 : i32
    %ne3A_37 = arith.xori %lt3A_34, %lt3A_36 : i1
    %and3A = arith.andi %ne3A_37, %ne3A_33 : i1
    %add3A_38 = arith.addi %rem3A, %select_n3A : i32
    %select_n3A_39 = arith.select %and3A, %add3A_38, %rem3A : i32
    %eq3A_40 = arith.constant 0 : i32
    %eq3A_41 = arith.cmpi eq, %select_n3A_39, %eq3A_40 : i32
    %select_n3A_42 = arith.select %eq3A_41, %mul3A_24, %mul3A_30 : vector<128x1536xf32>
    %get3A_43 = arith.constant 0 : index
    %get3A_44 = arith.constant 0 : index
    %get3A_45 = arith.constant 0 : index
    %get3A_46 = vector.load %arg5[%get3A_43, %get3A_44, %get3A_45] : memref<1x1536x768xf32, #tpu.memory_space<vmem>>, vector<1x1536x768xf32>
    %get3A_47 = vector.shape_cast %get3A_46 : vector<1x1536x768xf32> to vector<1536x768xf32>
    %dot_general3A_48 = arith.constant dense<0.000000e+00> : vector<128x768xf32>
    %dot_general3A_49 = tpu.matmul %select_n3A_42, %get3A_47, %dot_general3A_48 {dimension_numbers = #tpu.dot_dimension_numbers<[1], [0], [0], [1], [0, 0, 1, 1], [], []>, transpose_lhs_hint = false} : vector<128x1536xf32>, vector<1536x768xf32>, vector<128x768xf32> -> vector<128x768xf32>
    %get3A_50 = arith.constant 0 : index
    %get3A_51 = arith.constant 0 : index
    %get3A_52 = arith.constant 0 : index
    %get3A_53 = vector.load %arg6[%get3A_50, %get3A_51, %get3A_52] : memref<1x1x768xf32, #tpu.memory_space<vmem>>, vector<1x1x768xf32>
    %get3A_54 = vector.shape_cast %get3A_53 : vector<1x1x768xf32> to vector<1x768xf32>
    %add3A_55 = vector.broadcast %get3A_54 : vector<1x768xf32> to vector<128x768xf32>
    %add3A_56 = arith.addf %dot_general3A_49, %add3A_55 : vector<128x768xf32>
    %swap3A = arith.constant 0 : index
    %swap3A_57 = arith.constant 0 : index
    %swap3A_58 = vector.load %arg7[%swap3A, %swap3A_57] : memref<128x768xf32, #tpu.memory_space<vmem>>, vector<128x768xf32>
    tpu.vector_store %arg7[%swap3A, %swap3A_57], %add3A_56 {strides = array<i32>} : memref<128x768xf32, #tpu.memory_space<vmem>>, vector<128x768xf32>,
    return
  }
  func.func @transform_0(%arg0: i32, %arg1: memref<23xi32, #tpu.memory_space<smem>>) -> (i32, i32) {
    %c0_i32 = arith.constant 0 : i32
    %c0_i32_0 = arith.constant 0 : i32
    return %arg0, %c0_i32 : i32, i32
  }
  func.func @transform_1(%arg0: i32, %arg1: memref<23xi32, #tpu.memory_space<smem>>) -> (i32, i32, i32) {
    %get3A = arith.index_cast %arg0 : i32 to index
    %get3A_0 = memref.load %arg1[%get3A] : memref<23xi32, #tpu.memory_space<smem>>
    %c0_i32 = arith.constant 0 : i32
    %c0_i32_1 = arith.constant 0 : i32
    %c0_i32_2 = arith.constant 0 : i32
    return %get3A_0, %c0_i32, %c0_i32_1 : i32, i32, i32
  }
  func.func @transform_2(%arg0: i32, %arg1: memref<23xi32, #tpu.memory_space<smem>>) -> (i32, i32, i32) {
    %get3A = arith.index_cast %arg0 : i32 to index
    %get3A_0 = memref.load %arg1[%get3A] : memref<23xi32, #tpu.memory_space<smem>>
    %c0_i32 = arith.constant 0 : i32
    %c0_i32_1 = arith.constant 0 : i32
    %c0_i32_2 = arith.constant 0 : i32
    return %get3A_0, %c0_i32, %c0_i32_1 : i32, i32, i32
  }
  func.func @transform_3(%arg0: i32, %arg1: memref<23xi32, #tpu.memory_space<smem>>) -> (i32, i32, i32) {
    %get3A = arith.index_cast %arg0 : i32 to index
    %get3A_0 = memref.load %arg1[%get3A] : memref<23xi32, #tpu.memory_space<smem>>
    %c0_i32 = arith.constant 0 : i32
    %c0_i32_1 = arith.constant 0 : i32
    %c0_i32_2 = arith.constant 0 : i32
    return %get3A_0, %c0_i32, %c0_i32_1 : i32, i32, i32
  }
  func.func @transform_4(%arg0: i32, %arg1: memref<23xi32, #tpu.memory_space<smem>>) -> (i32, i32, i32) {
    %get3A = arith.index_cast %arg0 : i32 to index
    %get3A_0 = memref.load %arg1[%get3A] : memref<23xi32, #tpu.memory_space<smem>>
    %c0_i32 = arith.constant 0 : i32
    %c0_i32_1 = arith.constant 0 : i32
    %c0_i32_2 = arith.constant 0 : i32
    return %get3A_0, %c0_i32, %c0_i32_1 : i32, i32, i32
  }
  func.func @transform_5(%arg0: i32, %arg1: memref<23xi32, #tpu.memory_space<smem>>) -> (i32, i32) {
    %c0_i32 = arith.constant 0 : i32
    %c0_i32_0 = arith.constant 0 : i32
    return %arg0, %c0_i32 : i32, i32
  }
}

module attributes {stable_mosaic.version = 14 : i64} {
  func.func @_ln_body(%arg0: i32, %arg1: memref<512x768xf32, #tpu.memory_space<vmem>>, %arg2: memref<512x768xf32, #tpu.memory_space<vmem>>, %arg3: memref<1x768xf32, #tpu.memory_space<vmem>>, %arg4: memref<1x768xf32, #tpu.memory_space<vmem>>, %arg5: memref<512x768xf32, #tpu.memory_space<vmem>>) attributes {dimension_semantics = [#tpu.dimension_semantics<arbitrary>], iteration_bounds = array<i64: 4>, scalar_prefetch = 0 : i64, scratch_operands = 0 : i64, tpu.core_type = #tpu.core_type<tc>, window_params = [{transform_indices = @transform_0, window_bounds = array<i64: 512, 768>}, {transform_indices = @transform_1, window_bounds = array<i64: 512, 768>}, {pipeline_mode = #tpu.pipeline_mode<synchronous>, transform_indices = @transform_2, window_bounds = array<i64: 1, 768>}, {pipeline_mode = #tpu.pipeline_mode<synchronous>, transform_indices = @transform_3, window_bounds = array<i64: 1, 768>}, {transform_indices = @transform_4, window_bounds = array<i64: 512, 768>}]} {
    %get3A = arith.constant 0 : index
    %get3A_0 = arith.constant 0 : index
    %get3A_1 = vector.load %arg1[%get3A, %get3A_0] : memref<512x768xf32, #tpu.memory_space<vmem>>, vector<512x768xf32>
    %get3A_2 = arith.constant 0 : index
    %get3A_3 = arith.constant 0 : index
    %get3A_4 = vector.load %arg2[%get3A_2, %get3A_3] : memref<512x768xf32, #tpu.memory_space<vmem>>, vector<512x768xf32>
    %add3A = arith.addf %get3A_1, %get3A_4 : vector<512x768xf32>
    %reduce_sum3A = arith.constant dense<0.000000e+00> : vector<512xf32>
    %reduce_sum3A_5 = vector.multi_reduction <add>, %add3A, %reduce_sum3A [1] : vector<512x768xf32> to vector<512xf32>
    %broadcast_in_dim3A = vector.shape_cast %reduce_sum3A_5 : vector<512xf32> to vector<512x1xf32>
    %div3A = arith.constant 7.680000e+02 : f32
    %div3A_6 = vector.broadcast %div3A : f32 to vector<512x1xf32>
    %div3A_7 = arith.divf %broadcast_in_dim3A, %div3A_6 : vector<512x1xf32>
    %sub3A = vector.broadcast %div3A_7 : vector<512x1xf32> to vector<512x768xf32>
    %sub3A_8 = arith.subf %add3A, %sub3A : vector<512x768xf32>
    %integer_pow3A = arith.mulf %sub3A_8, %sub3A_8 : vector<512x768xf32>
    %reduce_sum3A_9 = arith.constant dense<0.000000e+00> : vector<512xf32>
    %reduce_sum3A_10 = vector.multi_reduction <add>, %integer_pow3A, %reduce_sum3A_9 [1] : vector<512x768xf32> to vector<512xf32>
    %broadcast_in_dim3A_11 = vector.shape_cast %reduce_sum3A_10 : vector<512xf32> to vector<512x1xf32>
    %div3A_12 = arith.constant 7.680000e+02 : f32
    %div3A_13 = vector.broadcast %div3A_12 : f32 to vector<512x1xf32>
    %div3A_14 = arith.divf %broadcast_in_dim3A_11, %div3A_13 : vector<512x1xf32>
    %sub3A_15 = vector.broadcast %div3A_7 : vector<512x1xf32> to vector<512x768xf32>
    %sub3A_16 = arith.subf %add3A, %sub3A_15 : vector<512x768xf32>
    %add3A_17 = arith.constant 9.99999974E-6 : f32
    %add3A_18 = vector.broadcast %add3A_17 : f32 to vector<512x1xf32>
    %add3A_19 = arith.addf %div3A_14, %add3A_18 : vector<512x1xf32>
    %rsqrt3A = math.rsqrt %add3A_19 : vector<512x1xf32>
    %mul3A = vector.broadcast %rsqrt3A : vector<512x1xf32> to vector<512x768xf32>
    %mul3A_20 = arith.mulf %sub3A_16, %mul3A : vector<512x768xf32>
    %get3A_21 = arith.constant 0 : index
    %get3A_22 = arith.constant 0 : index
    %get3A_23 = vector.load %arg3[%get3A_21, %get3A_22] : memref<1x768xf32, #tpu.memory_space<vmem>>, vector<1x768xf32>
    %mul3A_24 = vector.broadcast %get3A_23 : vector<1x768xf32> to vector<512x768xf32>
    %mul3A_25 = arith.mulf %mul3A_20, %mul3A_24 : vector<512x768xf32>
    %get3A_26 = arith.constant 0 : index
    %get3A_27 = arith.constant 0 : index
    %get3A_28 = vector.load %arg4[%get3A_26, %get3A_27] : memref<1x768xf32, #tpu.memory_space<vmem>>, vector<1x768xf32>
    %add3A_29 = vector.broadcast %get3A_28 : vector<1x768xf32> to vector<512x768xf32>
    %add3A_30 = arith.addf %mul3A_25, %add3A_29 : vector<512x768xf32>
    %swap3A = arith.constant 0 : index
    %swap3A_31 = arith.constant 0 : index
    %swap3A_32 = vector.load %arg5[%swap3A, %swap3A_31] : memref<512x768xf32, #tpu.memory_space<vmem>>, vector<512x768xf32>
    tpu.vector_store %arg5[%swap3A, %swap3A_31], %add3A_30 {strides = array<i32>} : memref<512x768xf32, #tpu.memory_space<vmem>>, vector<512x768xf32>,
    return
  }
  func.func @transform_0(%arg0: i32) -> (i32, i32) {
    %c0_i32 = arith.constant 0 : i32
    %c0_i32_0 = arith.constant 0 : i32
    return %arg0, %c0_i32 : i32, i32
  }
  func.func @transform_1(%arg0: i32) -> (i32, i32) {
    %c0_i32 = arith.constant 0 : i32
    %c0_i32_0 = arith.constant 0 : i32
    return %arg0, %c0_i32 : i32, i32
  }
  func.func @transform_2(%arg0: i32) -> (i32, i32) {
    %c0_i32 = arith.constant 0 : i32
    %c0_i32_0 = arith.constant 0 : i32
    %c0_i32_1 = arith.constant 0 : i32
    return %c0_i32, %c0_i32_0 : i32, i32
  }
  func.func @transform_3(%arg0: i32) -> (i32, i32) {
    %c0_i32 = arith.constant 0 : i32
    %c0_i32_0 = arith.constant 0 : i32
    %c0_i32_1 = arith.constant 0 : i32
    return %c0_i32, %c0_i32_0 : i32, i32
  }
  func.func @transform_4(%arg0: i32) -> (i32, i32) {
    %c0_i32 = arith.constant 0 : i32
    %c0_i32_0 = arith.constant 0 : i32
    return %arg0, %c0_i32 : i32, i32
  }
}

</mosaic_0001>

<sc_bundles>
// kernel: kernel.11.cloned.1.call-start
scs
__scs_entry_jumppad:
0x0: {  	(pc) =	sbr.rel $0x88, $3  }
0x1: {  	(tag) =	ssettag $0x0;
	lr =	simm.s32 $0x1  }
0x2: {  	[smem:$0x3F8E] =	sst lr;
	_ =	strace $0xD0000000  }
0x3: {  	_ = 	snop  }
0x4: {  	_ = 	snop  }
0x5: {  	_ = 	snop  }
0x6: {  	_ = 	snop  }
0x7: {  	_ = 	snop  }
__scs_overlays_trampoline_lowered:
0x8: {  	[smem:$0x3F9D] =	sst s0  }
0x9: {  	[smem:$0x3F9E] =	sst s1  }
0xa: {  	[smem:$0x3F9F] =	sst s2  }
0xb: {  	[smem:$0x3FA0] =	sst s3  }
0xc: {  	[smem:$0x3FA1] =	sst s4  }
0xd: {  	[smem:$0x3FA2] =	sst s5  }
0xe: {  	[smem:$0x3FA3] =	sst s6  }
0xf: {  	[smem:$0x3FA4] =	sst s7  }
0x10: {  	[smem:$0x3FA5] =	sst s8  }
0x11: {  	[smem:$0x3FA6] =	sst s9;
	s0 =	simm.s32 @!p0 $0x0  }
0x12: {  	s1 =	sld [smem:$0x3F8C];
	s0 =	simm.s32 @p0 $0x1  }
0x13: {  	[smem:$0x3FA7] =	sst s0;
	s0 =	simm.s32 @!p1 $0x0  }
0x14: {  	s2 =	sld [smem:$0x3F8B];
	s0 =	simm.s32 @p1 $0x1  }
0x15: {  	[smem:$0x3FA8] =	sst s0;
	s0 =	simm.s32 @!p2 $0x0  }
0x16: {  	s3 =	sld [smem:$0x3FDB];
	s0 =	simm.s32 @p2 $0x1  }
0x17: {  	s4 =	simm.s32 $0x1BF5;
	[smem:$0x3FAA] =	sst s0  }
0x18: {  	s0 =	sld [smem:$0x3F8D];
	_ =	swait.ge [sflag:s4], $0x0  }
0x19: {  	s7 =	sld [smem:$0x3F8E]  }
0x1a: {  	s8 =	sadd.s32 $0xFFFFE003, lr  }
0x1b: {  	s9 =	sadd.s32 $0xFFFFFEF7, lr;
	s5 =	simm.s32 $0xFFFFFFFF;
	p2 =	slt.u32 s8, $0xFFFFF086  }
0x1c: {  	p1 =	slt.u32 s9, $0xF7A;
	s5 =	simm.s32 @!p2 $0x0  }
0x1d: {  	s5 =	simm.s32 @p1 $0x1;
	p0 =	seq.s32 s7, s2  }
0x1e: {  	s7 =	smul.u32 @!p0 $0xF7A, s2;
	p2 =	seq.s32 @!p0 s5, $0x0  }
0x1f: {  	s9 =	smul.u32 $0xF7A, s1;
	s8 =	simm.s32 @!p0 $0x1BF5;
	p2 =	por !p2, p0  }
0x20: {  	[sflag:s8] =	ssyncset.s32 @!p0 $0xFFFFF086;
	s6 =	sadd.s32 @!p0 s3, s7;
	s7 =	simm.s32 @!p0 $0x108  }
0x21: {  	s3 =	sadd.s32 s3, s9;
	s6 =	sadd.s32 @!p0 $0x88, s6;
	s7 =	simm.s32 @p2 $0x1082  }
0x22: {  	[simem:s7], [sflag:s8] =	dma.local @!p0 [hbm:s6], $0xF7A  }
0x23: {  	s9 =	sor.u32 $0xD0000000, s2;
	s6 =	simm.s32 $0x108;
	_ =	swait.ge @!p0 [sflag:s8], $0x0  }
0x24: {  	s3 =	sadd.s32 $0x88, s3;
	s6 =	simm.s32 @!p1 $0x1082;
	[sflag:s4] =	ssyncset.s32 $0xFFFFF086  }
0x25: {  	[simem:s6], [sflag:s4] =	dma.local [hbm:s3], $0xF7A  }
0x26: {  	[smem:$0x3F8E] =	sst s1;
	(tag) =	ssettag s2;
	_ =	strace s9  }
0x27: {  	s1 =	sld [smem:$0x3F9E]  }
0x28: {  	s2 =	sld [smem:$0x3F9F]  }
0x29: {  	s4 =	sld [smem:$0x3FA1]  }
0x2a: {  	p0 =	seq.s32 s5, $0x0;
	s5 =	sld [smem:$0x3FA2]  }
0x2b: {  	s6 =	sld [smem:$0x3FA3]  }
0x2c: {  	s7 =	sld [smem:$0x3FA4]  }
0x2d: {  	s3 =	simm.s32 $0x108;
	s8 =	sld [smem:$0x3FA5]  }
0x2e: {  	s3 =	simm.s32 @!p0 $0x1082;
	s9 =	sld [smem:$0x3FA6]  }
0x2f: {  	lr =	sadd.s32 s0, s3;
	s0 =	sld [smem:$0x3F9D]  }
0x30: {  	s3 =	sld [smem:$0x3FA0]  }
0x31: {  	[smem:$0x3FA9] =	sst s10  }
0x32: {  	s10 =	sld [smem:$0x3FA7];
	_ =	sdelay $0x3  }
0x33: {  	p0 =	seq.s32 s10, $0x1;
	s10 =	sld [smem:$0x3FA9];
	_ =	sdelay $0x3  }
0x34: {  	[smem:$0x3FA9] =	sst s10  }
0x35: {  	s10 =	sld [smem:$0x3FA8];
	_ =	sdelay $0x3  }
0x36: {  	p1 =	seq.s32 s10, $0x1;
	s10 =	sld [smem:$0x3FA9];
	_ =	sdelay $0x3  }
0x37: {  	[smem:$0x3FA9] =	sst s10  }
0x38: {  	s10 =	sld [smem:$0x3FAA]  }
0x39: {  	_ = 	snop;
	(pc) =	sbr.ind lr, $3  }
0x3a: {  	_ = 	snop  }
0x3b: {  	_ = 	snop  }
0x3c: {  	p2 =	seq.s32 s10, $0x1;
	s10 =	sld [smem:$0x3FA9]  }
0x3d: {  	_ =	shalt  }
0x3e: {  	_ =	shalt  }
0x3f: {  	_ =	shalt  }
0x40: {  	_ =	shalt  }
0x41: {  	_ =	shalt  }
0x42: {  	_ =	shalt  }
0x43: {  	_ =	shalt  }
0x44: {  	_ =	shalt  }
0x45: {  	_ =	shalt  }
0x46: {  	_ =	shalt  }
0x47: {  	_ =	shalt  }
0x48: {  	_ =	shalt  }
0x49: {  	_ =	shalt  }
0x4a: {  	_ =	shalt  }
0x4b: {  	_ =	shalt  }
0x4c: {  	_ =	shalt  }
0x4d: {  	_ =	shalt  }
0x4e: {  	_ =	shalt  }
0x4f: {  	_ =	shalt  }
0x50: {  	_ =	shalt  }
0x51: {  	_ =	shalt  }
0x52: {  	_ =	shalt  }
0x53: {  	_ =	shalt  }
0x54: {  	_ =	shalt  }
0x55: {  	_ =	shalt  }
0x56: {  	_ =	shalt  }
0x57: {  	_ =	shalt  }
0x58: {  	_ =	shalt  }
0x59: {  	_ =	shalt  }
0x5a: {  	_ =	shalt  }
0x5b: {  	_ =	shalt  }
0x5c: {  	_ =	shalt  }
0x5d: {  	_ =	shalt  }
0x5e: {  	_ =	shalt  }
0x5f: {  	_ =	shalt  }
0x60: {  	_ =	shalt  }
0x61: {  	_ =	shalt  }
0x62: {  	_ =	shalt  }
0x63: {  	_ =	shalt  }
0x64: {  	_ =	shalt  }
0x65: {  	_ =	shalt  }
0x66: {  	_ =	shalt  }
0x67: {  	_ =	shalt  }
0x68: {  	_ =	shalt  }
0x69: {  	_ =	shalt  }
0x6a: {  	_ =	shalt  }
0x6b: {  	_ =	shalt  }
0x6c: {  	_ =	shalt  }
0x6d: {  	_ =	shalt  }
0x6e: {  	_ =	shalt  }
0x6f: {  	_ =	shalt  }
0x70: {  	_ =	shalt  }
0x71: {  	_ =	shalt  }
0x72: {  	_ =	shalt  }
0x73: {  	_ =	shalt  }
0x74: {  	_ =	shalt  }
0x75: {  	_ =	shalt  }
0x76: {  	_ =	shalt  }
0x77: {  	_ =	shalt  }
0x78: {  	_ =	shalt  }
0x79: {  	_ =	shalt  }
0x7a: {  	_ =	shalt  }
0x7b: {  	_ =	shalt  }
0x7c: {  	_ =	shalt  }
0x7d: {  	_ =	shalt  }
0x7e: {  	_ =	shalt  }
0x7f: {  	_ =	shalt  }
0x80: {  	_ =	shalt  }
0x81: {  	_ =	shalt  }
0x82: {  	_ =	shalt  }
0x83: {  	_ =	shalt  }
0x84: {  	_ =	shalt  }
0x85: {  	_ =	shalt  }
0x86: {  	_ =	shalt  }
0x87: {  	_ =	shalt  }
.Lfunc_end0:
.L_simem_size_0:
called_computation_lowered:
.L_overlay_start_0:
0x88: {  	s2 =	sld [smem:$0x3FD9]  }
0x89: {  	s3 =	sld [smem:$0x3FFE];
	_ =	sdelay $0x1  }
0x8a: {  	s1 =	srdreg.scid  }
0x8b: {  	s0 =	sand.u32 $0x1, s1  }
0x8c: {  	s17 =	sshll.u32 s0, $0xA;
	s2 =	sadd.s32 s3, s2  }
0x8d: {  	s2 =	sadd.s32 s2, s17  }
0x8e: {  	[smem:$0x3FB5] =	sst s2  }
0x8f: {  	_ = 	snop  }
0x90: {  	s2 =	sld [smem:$0x3FD0];
	(tm) =	ssettm $0x1  }
0x91: {  	s18 =	sld [smem:$0x3FFB];
	_ =	sdelay $0x3  }
0x92: {  	_ =	strace s18  }
0x93: {  	s3 =	sld [smem:$0x3FFC];
	_ =	sdelay $0x3  }
0x94: {  	_ =	strace s3  }
0x95: {  	s3 =	sld [smem:$0x3FFD];
	_ =	sdelay $0x3  }
0x96: {  	_ =	strace s3  }
0x97: {  	_ =	strace $0x8FFFFFFF  }
0x98: {  	s19 =	sld [smem:$0x3FDB];
	_ =	sdelay $0x1  }
0x99: {  	s4 =	simm.s32 $_scs_section_size  }
0x9a: {  	s5 =	simm.s32 $_size__tile_overlayer_lowered;
	s6 =	simm.s32 $_tile_overlayer_lowered  }
0x9b: {  	s22 =	simm.s32 $0x1BFF;
	s21 =	sshll.u32 s6, $0x1;
	s3 =	sadd.s32 s4, s19  }
0x9c: {  	s7 =	simm.s32 $0x0;
	s20 =	sshll.u32 s5, $0x1;
	s5 =	sadd.s32 s21, s3  }
0x9d: {  	[timem:s7], [sflag:s22] =	dma.local [hbm:s5], s20  }
0x9e: {  	_ =	swait.ge [sflag:s22], s20  }
0x9f: {  	s4 =	ssub.s32 $0x0, s20;
	[sflag:s22] =	ssyncset.done $0x0  }
0xa0: {  	[sflag:s22] =	ssyncadd.s32 s4;
	_ =	sdelay $0x1  }
0xa1: {  	s23 =	simm.s32 $0x1B8B  }
0xa2: {  	_ =	swait.ge [sflag:s23], $0x1  }
0xa3: {  	[sflag:s23] =	ssyncset.done $0x0  }
0xa4: {  	s25 =	simm.s32 $0x1B8E;
	s24 =	sld [smem:$0x3FFE];
	[sflag:s23] =	ssyncadd.s32 $0xFFFFFFFF  }
0xa5: {  	s26 =	simm.s32 $execute0_lowered;
	[smem:$0x3FD2] =	sst s25  }
0xa6: {  	s5 =	sshll.u32 s26, $0x1;
	_ =	strace $0x80000046;
	[dreg:$0x1] =	wrdreg $0xFFFFFFFF  }
0xa7: {  	s28 =	simm.s32 $_size_execute0_lowered;
	s3 =	sadd.s32 s3, s5;
	[dreg:$0x0] =	wrdreg $0x0  }
0xa8: {  	s5 =	sshll.u32 s28, $0x1;
	[dreg:$0x2] =	wrdreg s3  }
0xa9: {  	[dreg:$0x3] =	wrdreg s5  }
0xaa: {  	[dreg:$0x4] =	wrdreg $0xC0  }
0xab: {  	_ =	task [dreg:s7], $0x5FFFF  }
0xac: {  	[dreg:$0x1] =	wrdreg $0xFFFFFFFF  }
0xad: {  	[dreg:$0x0] =	wrdreg $0x60  }
0xae: {  	[dreg:$0x2] =	wrdreg s2  }
0xaf: {  	[dreg:$0x3] =	wrdreg s24  }
0xb0: {  	[dreg:$0x4] =	wrdreg $0x9  }
0xb1: {  	_ =	task.clear_ibuf [dreg:s7], $0x5FFFF;
	_ =	strace $0x90000046  }
0xb2: {  	s29 =	simm.s32 $0x9;
	_ =	strace $0x80000048  }
0xb3: {  	_ =	swait.ge [sflag:s29], $0x1  }
0xb4: {  	[sflag:s29] =	ssyncadd.s32 $0xFFFFFFFF  }
0xb5: {  	_ =	strace $0x90000048  }
0xb6: {  	_ =	sfence  }
0xb7: {  	s30 =	sld [smem:$0x0];
	_ =	sdelay $0x2  }
0xb8: {  	s31 =	sshll.u32 s1, $0xD;
	s1 =	sshrl.u32 s1, $0x2  }
0xb9: {  	s3 =	sand.u32 $0x4000, s31;
	s1 =	sadd.s32 s1, s30  }
0xba: {  	s0 =	sor.u32 s3, s0;
	s1 =	sshll.u32 s1, $0x11  }
0xbb: {  	s0 =	sor.u32 s1, s0  }
0xbc: {  	s0 =	sadd.s32 $0x8F2B, s0  }
0xbd: {  	[sflag:s0] =	ssyncadd.remote.s32 $0x1  }
0xbe: {  	_ =	sfence.sel $0xFFFF  }
0xbf: {  	[dreg:$0x0] =	wrdreg $0xFFFFFFFF;
	(pc) =	sbr.abs _section_cstart, $3  }
0xc0: {  	[dreg:$0x1] =	wrdreg $0xFFFFFFFF  }
0xc1: {  	_ =	task.clear_ibuf [dreg:s7], $0x2FFFF;
	_ =	strace $0x9FFFFFFF  }
0xc2: {  	(tm) =	ssettm $0x7FFFFFFF  }
0xc3: {  	_ =	shalt  }
tec
execute0_lowered:
.L_overlay_start_1:
0x0: {  	(tag) =	ssettag $0x1  }
0x1: {  	s1 =	srdreg.scid;
	s0 =	stileid.u32  }
0x2: {  	s2 =	rddreg [dreg:$0x0];
	s1 =	sand.u32 $0x1, s1;
	s3 =	sshll.u32 s0, $0x1  }
0x3: {  	s5 =	rddreg [dreg:$0x1];
	s4 =	sor.u32 s1, s3;
	s3 =	simm.s32 $0x0  }
0x4: {  	s0 =	simm.s32 $0xA00;
	[smem:$0x7FF] =	sst s3  }
0x5: {  	s9 =	simm.s32 $0x2A00;
	_ =	strace $0x80000047;
	[dreg:$0x7] =	wrdreg s0  }
0x6: {  	s10 =	simm.s32 $0x3200;
	[dreg:$0xb] =	wrdreg s9  }
0x7: {  	s11 =	simm.s32 $0x3A00;
	s12 =	simm.s32 $0x4200;
	[dreg:$0xc] =	wrdreg s10  }
0x8: {  	s13 =	simm.s32 $0x5200;
	s14 =	simm.s32 $0x5A00;
	[dreg:$0xd] =	wrdreg s11  }
0x9: {  	s15 =	simm.s32 $0x6200;
	s16 =	simm.s32 $0x6A00;
	[dreg:$0xe] =	wrdreg s12  }
0xa: {  	s18 =	simm.s32 $0x7200;
	s19 =	simm.s32 $0x7A00;
	[dreg:$0xf] =	wrdreg s13  }
0xb: {  	s20 =	simm.s32 $0x8200;
	s21 =	simm.s32 $0x8A00;
	[dreg:$0x10] =	wrdreg s14  }
0xc: {  	s22 =	simm.s32 $0x9A00;
	s23 =	simm.s32 $0xA200;
	[dreg:$0x11] =	wrdreg s15  }
0xd: {  	s24 =	simm.s32 $0xAA00;
	s28 =	simm.s32 $0x4;
	[dreg:$0x12] =	wrdreg s16  }
0xe: {  	s29 =	simm.s32 $0x5;
	s30 =	simm.s32 $0x6;
	[dreg:$0x13] =	wrdreg s18  }
0xf: {  	s31 =	simm.s32 $0x7;
	s1 =	ssub.s32 $0x2, s1;
	[dreg:$0x14] =	wrdreg s19  }
0x10: {  	s6 =	smul.u32 $0x60, s4;
	s4 =	sshll.u32 s4, $0x6;
	[dreg:$0x15] =	wrdreg s20  }
0x11: {  	s17 =	sshrl.u32 s1, $0x1;
	s4 =	sadd.s32 s4, s5;
	[dreg:$0x16] =	wrdreg s21  }
0x12: {  	s5 =	sadd.s32 $0x3200, s5;
	s1 =	ssub.s32 s1, s17;
	[dreg:$0x17] =	wrdreg s22  }
0x13: {  	s9 =	simm.s32 $0x200;
	[dreg:$0x18] =	wrdreg s23;
	s10 =	simm.s32 $0x4A00  }
0x14: {  	[dreg:$0x19] =	wrdreg s24;
	s11 =	simm.s32 $0x9200;
	s13 =	simm.s32 $0xCA00  }
0x15: {  	s14 =	simm.s32 $0xD200;
	s15 =	simm.s32 $0xDA00;
	s16 =	simm.s32 $0xE200  }
0x16: {  	s17 =	simm.s32 $0xEA00;
	s18 =	simm.s32 $0xF200;
	s19 =	simm.s32 $0xFA00  }
0x17: {  	s20 =	simm.s32 $0x10200;
	s21 =	simm.s32 $0x10A00;
	s7 =	sshrl.u32 s6, $0x3  }
0x18: {  	s22 =	simm.s32 $0x11200;
	s23 =	simm.s32 $0x11A00;
	s8 =	smul.u32 $0x1800, s7  }
0x19: {  	s4 =	sadd.s32 $0x2A00, s4;
	s6 =	sadd.s32 $0x48, s6;
	s7 =	smul.u32 $0x300, s7  }
0x1a: {  	s24 =	simm.s32 $0x1;
	[dreg:$0x3] =	wrdreg s4;
	s6 =	sshrl.u32 s6, $0x3  }
0x1b: {  	s6 =	smul.u32 $0x300, s6;
	s4 =	sadd.s32 s5, s7;
	s7 =	simm.s32 $0x1A00  }
0x1c: {  	s8 =	sshrl.u32 s8, $0x3;
	s26 =	sadd.s32 $0x1200, s4;
	[dreg:$0x9] =	wrdreg s7  }
0x1d: {  	s8 =	sadd.s32 s5, s8;
	s5 =	sadd.s32 s5, s6;
	[dreg:$0x5] =	wrdreg s26  }
0x1e: {  	s6 =	simm.s32 $0x1200;
	s7 =	smax.u32 s1, $0x1;
	[dreg:$0x6] =	wrdreg s5  }
0x1f: {  	s1 =	simm.s32 $0x8;
	s25 =	sadd.s32 $0x900, s8;
	[dreg:$0x8] =	wrdreg s6  }
0x20: {  	s8 =	simm.s32 $0x2200;
	s5 =	sadd.s32 $0x100, s2;
	[dreg:$0x4] =	wrdreg s25  }
0x21: {  	v2 =	vlaneseq.u32;
	s6 =	sadd.s32 $0x200, s2;
	s26 =	simm.s32 $0xBA00;
	[dreg:$0xa] =	wrdreg s8  }
0x22: {  	vm0 =	vmmov $0xffff;
	v1 =	vshrl.u32 v2, $0x3;
	s8 =	simm.s32 $0x9;
	s25 =	simm.s32 $0xB200;
	[dreg:$0x1b] =	wrdreg s26  }
0x23: {  	v0 =	vand.u32 $0x7, v2;
	v2 =	vor.u32 $0x8, v2;
	v1 =	vmul.u32 $0x8, v1;
	s26 =	simm.s32 $0x3;
	[dreg:$0x1a] =	wrdreg s25;
	s25 =	simm.s32 $0x2  }
.LBB2_1:
0x24: {  	s0 =	rddreg [dreg:$0x3]  }
0x25: {  	[tilespmem:s3], [sflag:$0x9] =	stream.linear.gather [hbm4b:s0+s3], $0x200, $0x38;
	[tilespmem:$0x12200] =	vst v63  }
0x26: {  	_ =	swait.ge [sflag:s8], $0x200  }
0x27: {  	[sflag:s8] =	ssyncset.done $0x0  }
0x28: {  	[sflag:s8] =	ssyncadd.s32 $0xFFFFFE00  }
0x29: {  	v3 =	vld [tilespmem:$0x0];
	_ =	sdelay $0x4  }
0x2a: {  	v4 =	vshrl.u32 v3, $0x3  }
0x2b: {  	v4 =	vmul.u32 $0x30, v4  }
0x2c: {  	v3 =	vand.u32 $0x7, v3  }
0x2d: {  	v3 =	vor.u32 v3, v4  }
0x2e: {  	v4 =	vperm.xlane v3, v0;
	_ =	sdelay $0x1  }
0x2f: {  	v4 =	vadd.s32 v1, v4;
	_ =	sdelay $0x3  }
0x30: {  	v3 =	vperm.xlane v3, v2  }
0x31: {  	[tilespmem:s9], [sflag:$0x1] =	stream.indirect_vreg.gather [hbm4b:s2+s3], $0x80, v4, vm0, $0xb8;
	[tilespmem:$0x12200] =	vst v63  }
0x32: {  	s0 =	rddreg [dreg:$0x7];
	v3 =	vadd.s32 v1, v3  }
0x33: {  	[tilespmem:s0], [sflag:$0x1] =	stream.indirect_vreg.gather [hbm4b:s5+s3], $0x80, v4, vm0, $0xb8;
	[tilespmem:$0x12200] =	vst v63  }
0x34: {  	s12 =	rddreg [dreg:$0x8]  }
0x35: {  	[tilespmem:s12], [sflag:$0x1] =	stream.indirect_vreg.gather [hbm4b:s6+s3], $0x80, v4, vm0, $0xb8;
	[tilespmem:$0x12200] =	vst v63  }
0x36: {  	s0 =	rddreg [dreg:$0x9]  }
0x37: {  	[tilespmem:s0], [sflag:$0x1] =	stream.indirect_vreg.gather [hbm4b:s2+s3], $0x80, v3, vm0, $0xb8;
	[tilespmem:$0x12200] =	vst v63  }
0x38: {  	s12 =	rddreg [dreg:$0xa]  }
0x39: {  	[tilespmem:s12], [sflag:$0x1] =	stream.indirect_vreg.gather [hbm4b:s5+s3], $0x80, v3, vm0, $0xb8;
	[tilespmem:$0x12200] =	vst v63  }
0x3a: {  	s0 =	rddreg [dreg:$0xb]  }
0x3b: {  	[tilespmem:s0], [sflag:$0x1] =	stream.indirect_vreg.gather [hbm4b:s6+s3], $0x80, v3, vm0, $0xb8;
	[tilespmem:$0x12200] =	vst v63  }
0x3c: {  	v3 =	vld.msk [tilespmem:$0x10], $0xff;
	_ =	sdelay $0x4  }
0x3d: {  	v57 =	vshrl.u32 v3, $0x3  }
0x3e: {  	v4 =	vmul.u32 $0x30, v57  }
0x3f: {  	v3 =	vand.u32 $0x7, v3  }
0x40: {  	v3 =	vor.u32 v3, v4  }
0x41: {  	v3 =	vperm.xlane v3, v0;
	_ =	sdelay $0x1  }
0x42: {  	v3 =	vadd.s32 v1, v3;
	_ =	sdelay $0x3  }
0x43: {  	s0 =	rddreg [dreg:$0xc]  }
0x44: {  	[tilespmem:s0], [sflag:$0x1] =	stream.indirect_vreg.gather [hbm4b:s2+s3], $0x80, v3, vm0, $0xb8;
	[tilespmem:$0x12200] =	vst v63  }
0x45: {  	s12 =	rddreg [dreg:$0xd]  }
0x46: {  	[tilespmem:s12], [sflag:$0x1] =	stream.indirect_vreg.gather [hbm4b:s5+s3], $0x80, v3, vm0, $0xb8;
	[tilespmem:$0x12200] =	vst v63  }
0x47: {  	s0 =	rddreg [dreg:$0xe]  }
0x48: {  	[tilespmem:s0], [sflag:$0x1] =	stream.indirect_vreg.gather [hbm4b:s6+s3], $0x80, v3, vm0, $0xb8;
	[tilespmem:$0x12200] =	vst v63  }
0x49: {  	v3 =	vld [tilespmem:$0x80];
	_ =	sdelay $0x4  }
0x4a: {  	v58 =	vshrl.u32 v3, $0x3  }
0x4b: {  	v4 =	vmul.u32 $0x30, v58  }
0x4c: {  	v3 =	vand.u32 $0x7, v3  }
0x4d: {  	v3 =	vor.u32 v3, v4  }
0x4e: {  	v4 =	vperm.xlane v3, v0;
	_ =	sdelay $0x1  }
0x4f: {  	v4 =	vadd.s32 v1, v4;
	_ =	sdelay $0x3  }
0x50: {  	v3 =	vperm.xlane v3, v2  }
0x51: {  	[tilespmem:s10], [sflag:$0x2] =	stream.indirect_vreg.gather [hbm4b:s2+s3], $0x80, v4, vm0, $0xb8;
	[tilespmem:$0x12200] =	vst v63  }
0x52: {  	s0 =	rddreg [dreg:$0xf];
	v3 =	vadd.s32 v1, v3  }
0x53: {  	[tilespmem:s0], [sflag:$0x2] =	stream.indirect_vreg.gather [hbm4b:s5+s3], $0x80, v4, vm0, $0xb8;
	[tilespmem:$0x12200] =	vst v63  }
0x54: {  	s12 =	rddreg [dreg:$0x10]  }
0x55: {  	[tilespmem:s12], [sflag:$0x2] =	stream.indirect_vreg.gather [hbm4b:s6+s3], $0x80, v4, vm0, $0xb8;
	[tilespmem:$0x12200] =	vst v63  }
0x56: {  	s0 =	rddreg [dreg:$0x11]  }
0x57: {  	[tilespmem:s0], [sflag:$0x2] =	stream.indirect_vreg.gather [hbm4b:s2+s3], $0x80, v3, vm0, $0xb8;
	[tilespmem:$0x12200] =	vst v63  }
0x58: {  	s12 =	rddreg [dreg:$0x12]  }
0x59: {  	[tilespmem:s12], [sflag:$0x2] =	stream.indirect_vreg.gather [hbm4b:s5+s3], $0x80, v3, vm0, $0xb8;
	[tilespmem:$0x12200] =	vst v63  }
0x5a: {  	s0 =	rddreg [dreg:$0x13]  }
0x5b: {  	[tilespmem:s0], [sflag:$0x2] =	stream.indirect_vreg.gather [hbm4b:s6+s3], $0x80, v3, vm0, $0xb8;
	[tilespmem:$0x12200] =	vst v63  }
0x5c: {  	v3 =	vld.msk [tilespmem:$0x90], $0xff;
	_ =	sdelay $0x4  }
0x5d: {  	v59 =	vshrl.u32 v3, $0x3  }
0x5e: {  	v4 =	vmul.u32 $0x30, v59  }
0x5f: {  	v3 =	vand.u32 $0x7, v3  }
0x60: {  	v3 =	vor.u32 v3, v4  }
0x61: {  	v3 =	vperm.xlane v3, v0;
	_ =	sdelay $0x1  }
0x62: {  	v3 =	vadd.s32 v1, v3;
	_ =	sdelay $0x3  }
0x63: {  	s0 =	rddreg [dreg:$0x14]  }
0x64: {  	[tilespmem:s0], [sflag:$0x2] =	stream.indirect_vreg.gather [hbm4b:s2+s3], $0x80, v3, vm0, $0xb8;
	[tilespmem:$0x12200] =	vst v63  }
0x65: {  	s12 =	rddreg [dreg:$0x15]  }
0x66: {  	[tilespmem:s12], [sflag:$0x2] =	stream.indirect_vreg.gather [hbm4b:s5+s3], $0x80, v3, vm0, $0xb8;
	[tilespmem:$0x12200] =	vst v63  }
0x67: {  	s0 =	rddreg [dreg:$0x16]  }
0x68: {  	[tilespmem:s0], [sflag:$0x2] =	stream.indirect_vreg.gather [hbm4b:s6+s3], $0x80, v3, vm0, $0xb8;
	[tilespmem:$0x12200] =	vst v63  }
0x69: {  	v3 =	vld [tilespmem:$0x100];
	_ =	sdelay $0x4  }
0x6a: {  	v60 =	vshrl.u32 v3, $0x3  }
0x6b: {  	v4 =	vmul.u32 $0x30, v60  }
0x6c: {  	v3 =	vand.u32 $0x7, v3  }
0x6d: {  	v3 =	vor.u32 v3, v4  }
0x6e: {  	v4 =	vperm.xlane v3, v0;
	_ =	sdelay $0x1  }
0x6f: {  	v4 =	vadd.s32 v1, v4;
	_ =	sdelay $0x3  }
0x70: {  	v3 =	vperm.xlane v3, v2  }
0x71: {  	[tilespmem:s11], [sflag:$0x3] =	stream.indirect_vreg.gather [hbm4b:s2+s3], $0x80, v4, vm0, $0xb8;
	[tilespmem:$0x12200] =	vst v63  }
0x72: {  	s0 =	rddreg [dreg:$0x17];
	v3 =	vadd.s32 v1, v3  }
0x73: {  	[tilespmem:s0], [sflag:$0x3] =	stream.indirect_vreg.gather [hbm4b:s5+s3], $0x80, v4, vm0, $0xb8;
	[tilespmem:$0x12200] =	vst v63  }
0x74: {  	s12 =	rddreg [dreg:$0x18]  }
0x75: {  	[tilespmem:s12], [sflag:$0x3] =	stream.indirect_vreg.gather [hbm4b:s6+s3], $0x80, v4, vm0, $0xb8;
	[tilespmem:$0x12200] =	vst v63  }
0x76: {  	s0 =	rddreg [dreg:$0x19]  }
0x77: {  	[tilespmem:s0], [sflag:$0x3] =	stream.indirect_vreg.gather [hbm4b:s2+s3], $0x80, v3, vm0, $0xb8;
	[tilespmem:$0x12200] =	vst v63  }
0x78: {  	s12 =	rddreg [dreg:$0x1a]  }
0x79: {  	[tilespmem:s12], [sflag:$0x3] =	stream.indirect_vreg.gather [hbm4b:s5+s3], $0x80, v3, vm0, $0xb8;
	[tilespmem:$0x12200] =	vst v63  }
0x7a: {  	s0 =	rddreg [dreg:$0x1b]  }
0x7b: {  	[tilespmem:s0], [sflag:$0x3] =	stream.indirect_vreg.gather [hbm4b:s6+s3], $0x80, v3, vm0, $0xb8;
	[tilespmem:$0x12200] =	vst v63  }
0x7c: {  	v3 =	vld.msk [tilespmem:$0x110], $0xff;
	_ =	sdelay $0x4  }
0x7d: {  	v61 =	vshrl.u32 v3, $0x3  }
0x7e: {  	v4 =	vmul.u32 $0x30, v61  }
0x7f: {  	v3 =	vand.u32 $0x7, v3  }
0x80: {  	v3 =	vor.u32 v3, v4  }
0x81: {  	v3 =	vperm.xlane v3, v0;
	_ =	sdelay $0x1  }
0x82: {  	v3 =	vadd.s32 v1, v3;
	_ =	sdelay $0x3  }
0x83: {  	s12 =	simm.s32 $0xC200  }
0x84: {  	[tilespmem:s12], [sflag:$0x3] =	stream.indirect_vreg.gather [hbm4b:s2+s3], $0x80, v3, vm0, $0xb8;
	[tilespmem:$0x12200] =	vst v63  }
0x85: {  	_ = 	snop  }
0x86: {  	[tilespmem:s13], [sflag:$0x3] =	stream.indirect_vreg.gather [hbm4b:s5+s3], $0x80, v3, vm0, $0xb8;
	[tilespmem:$0x12200] =	vst v63  }
0x87: {  	_ = 	snop  }
0x88: {  	[tilespmem:s14], [sflag:$0x3] =	stream.indirect_vreg.gather [hbm4b:s6+s3], $0x80, v3, vm0, $0xb8;
	[tilespmem:$0x12200] =	vst v63  }
0x89: {  	v3 =	vld [tilespmem:$0x180];
	_ =	sdelay $0x4  }
0x8a: {  	v62 =	vshrl.u32 v3, $0x3  }
0x8b: {  	v4 =	vmul.u32 $0x30, v62  }
0x8c: {  	v3 =	vand.u32 $0x7, v3  }
0x8d: {  	v3 =	vor.u32 v3, v4  }
0x8e: {  	v4 =	vperm.xlane v3, v0;
	_ =	sdelay $0x1  }
0x8f: {  	v4 =	vadd.s32 v1, v4;
	_ =	sdelay $0x3  }
0x90: {  	v3 =	vperm.xlane v3, v2  }
0x91: {  	[tilespmem:s15], [sflag:$0x4] =	stream.indirect_vreg.gather [hbm4b:s2+s3], $0x80, v4, vm0, $0xb8;
	[tilespmem:$0x12200] =	vst v63  }
0x92: {  	v3 =	vadd.s32 v1, v3  }
0x93: {  	[tilespmem:s16], [sflag:$0x4] =	stream.indirect_vreg.gather [hbm4b:s5+s3], $0x80, v4, vm0, $0xb8;
	[tilespmem:$0x12200] =	vst v63  }
0x94: {  	_ = 	snop  }
0x95: {  	[tilespmem:s17], [sflag:$0x4] =	stream.indirect_vreg.gather [hbm4b:s6+s3], $0x80, v4, vm0, $0xb8;
	[tilespmem:$0x12200] =	vst v63  }
0x96: {  	_ = 	snop  }
0x97: {  	[tilespmem:s18], [sflag:$0x4] =	stream.indirect_vreg.gather [hbm4b:s2+s3], $0x80, v3, vm0, $0xb8;
	[tilespmem:$0x12200] =	vst v63  }
0x98: {  	_ = 	snop  }
0x99: {  	[tilespmem:s19], [sflag:$0x4] =	stream.indirect_vreg.gather [hbm4b:s5+s3], $0x80, v3, vm0, $0xb8;
	[tilespmem:$0x12200] =	vst v63  }
0x9a: {  	_ = 	snop  }
0x9b: {  	[tilespmem:s20], [sflag:$0x4] =	stream.indirect_vreg.gather [hbm4b:s6+s3], $0x80, v3, vm0, $0xb8;
	[tilespmem:$0x12200] =	vst v63  }
0x9c: {  	v3 =	vld.msk [tilespmem:$0x190], $0xff;
	_ =	sdelay $0x4  }
0x9d: {  	v63 =	vshrl.u32 v3, $0x3  }
0x9e: {  	v4 =	vmul.u32 $0x30, v63  }
0x9f: {  	v3 =	vand.u32 $0x7, v3  }
0xa0: {  	v3 =	vor.u32 v3, v4  }
0xa1: {  	v3 =	vperm.xlane v3, v0;
	_ =	sdelay $0x1  }
0xa2: {  	v3 =	vadd.s32 v1, v3;
	_ =	sdelay $0x4  }
0xa3: {  	[tilespmem:s21], [sflag:$0x4] =	stream.indirect_vreg.gather [hbm4b:s2+s3], $0x80, v3, vm0, $0xb8;
	[tilespmem:$0x12200] =	vst v63  }
0xa4: {  	_ = 	snop  }
0xa5: {  	[tilespmem:s22], [sflag:$0x4] =	stream.indirect_vreg.gather [hbm4b:s5+s3], $0x80, v3, vm0, $0xb8;
	[tilespmem:$0x12200] =	vst v63  }
0xa6: {  	_ = 	snop  }
0xa7: {  	[tilespmem:s23], [sflag:$0x4] =	stream.indirect_vreg.gather [hbm4b:s6+s3], $0x80, v3, vm0, $0xb8;
	[tilespmem:$0x12200] =	vst v63  }
0xa8: {  	_ =	swait.ge [sflag:s24], $0x4800  }
0xa9: {  	[sflag:s24] =	ssyncset.done $0x0  }
0xaa: {  	[sflag:s24] =	ssyncadd.s32 $0xFFFFB800  }
0xab: {  	[hbm4b:s4+s3] =	stream.linear.scatter [tilespmem:s9], [sflag:$0x5], $0x4800, $0x38;
	[tilespmem:$0x12200] =	vst v63  }
0xac: {  	_ =	swait.ge [sflag:s25], $0x4800  }
0xad: {  	[sflag:s25] =	ssyncset.done $0x0  }
0xae: {  	s12 =	rddreg [dreg:$0x4];
	[sflag:s25] =	ssyncadd.s32 $0xFFFFB800  }
0xaf: {  	[hbm4b:s12+s3] =	stream.linear.scatter [tilespmem:s10], [sflag:$0x6], $0x4800, $0x38;
	[tilespmem:$0x12200] =	vst v63  }
0xb0: {  	_ =	swait.ge [sflag:s26], $0x4800  }
0xb1: {  	[sflag:s26] =	ssyncset.done $0x0  }
0xb2: {  	s12 =	rddreg [dreg:$0x5];
	[sflag:s26] =	ssyncadd.s32 $0xFFFFB800  }
0xb3: {  	[hbm4b:s12+s3] =	stream.linear.scatter [tilespmem:s11], [sflag:$0x7], $0x4800, $0x38;
	[tilespmem:$0x12200] =	vst v63  }
0xb4: {  	_ =	swait.ge [sflag:s28], $0x4800  }
0xb5: {  	[sflag:s28] =	ssyncset.done $0x0  }
0xb6: {  	s12 =	rddreg [dreg:$0x6];
	[sflag:s28] =	ssyncadd.s32 $0xFFFFB800  }
0xb7: {  	[hbm4b:s12+s3] =	stream.linear.scatter [tilespmem:s15], [sflag:$0x8], $0x4800, $0x38;
	[tilespmem:$0x12200] =	vst v63  }
0xb8: {  	_ =	swait.ge [sflag:s29], $0x4800  }
0xb9: {  	[sflag:s29] =	ssyncset.done $0x0  }
0xba: {  	[sflag:s29] =	ssyncadd.s32 $0xFFFFB800  }
0xbb: {  	_ =	swait.ge [sflag:s30], $0x4800  }
0xbc: {  	[sflag:s30] =	ssyncset.done $0x0  }
0xbd: {  	[sflag:s30] =	ssyncadd.s32 $0xFFFFB800  }
0xbe: {  	p0 =	sne.s32 s7, $0x1;
	_ =	swait.ge [sflag:s31], $0x4800  }
.Ltmp0:
0xbf: {  	[sflag:s31] =	ssyncset.done $0x0;
	(pc) =	sbr.rel @p0 .LBB2_1-.Ltmp0, $4  }
0xc0: {  	[sflag:s31] =	ssyncadd.s32 $0xFFFFB800  }
0xc1: {  	_ =	swait.ge [sflag:s1], $0x4800  }
0xc2: {  	[sflag:s1] =	ssyncset.done $0x0  }
0xc3: {  	s7 =	sadd.s32 $0xFFFFFFFF, s7;
	[sflag:s1] =	ssyncadd.s32 $0xFFFFB800  }
0xc4: {  	_ =	sfence.sel $0x180000  }
0xc5: {  	[bflag:$0x0] =	sbarrier.arrive $0xFFFF  }
0xc6: {  	_ =	strace $0x90000047  }
0xc7: {  	s0 =	stileid.u32;
	[bflag:$0x2] =	sbarrier.arrive $0xFFFF  }
0xc8: {  	p0 =	sne.s32 s0, $0x0;
	s0 =	rddreg [dreg:$0x2]  }
0xc9: {  	s0 =	sadd.s32 @!p0 $0x100000, s0  }
0xca: {  	[sflag:s0] =	ssyncadd.tile.s32 @!p0 $0x1;
	_ =	shalt  }
.Lfunc_end2:
_tile_overlayer_lowered:
.L_overlay_start_2:
0xcb: {  	(tag) =	ssettag $0x2  }
0xcc: {  	s0 =	rddreg [dreg:$0x0];
	s2 =	stileid.u32  }
0xcd: {  	s1 =	rddreg [dreg:$0x1];
	p0 =	sne.s32 s2, $0x0  }
0xce: {  	s3 =	rddreg [dreg:$0x2];
	[bflag:$0x3] =	sbarrier.arrive $0xFFFF;
	s2 =	simm.s32 @!p0 $0x1C09  }
0xcf: {  	[timem:s3], [sflag:s2] =	dma.local @!p0 [hbm:s0], s1  }
0xd0: {  	s0 =	simm.s32 @!p0 $0x9  }
0xd1: {  	_ =	swait.ge @!p0 [sflag:s0], s1  }
0xd2: {  	s1 =	ssub.s32 @!p0 $0x0, s1;
	[sflag:s0] =	ssyncset.done @!p0 $0x0  }
0xd3: {  	[sflag:s0] =	ssyncadd.s32 @!p0 s1  }
0xd4: {  	[bflag:$0x3] =	sbarrier.arrive $0xFFFF  }
0xd5: {  	_ =	shalt  }

// kernel: kernel.14.cloned.1.call-start
scs
__scs_entry_jumppad:
0x0: {  	(pc) =	sbr.rel $0x88, $3  }
0x1: {  	(tag) =	ssettag $0x0;
	lr =	simm.s32 $0x1  }
0x2: {  	[smem:$0x3F8E] =	sst lr;
	_ =	strace $0xD0000000  }
0x3: {  	_ = 	snop  }
0x4: {  	_ = 	snop  }
0x5: {  	_ = 	snop  }
0x6: {  	_ = 	snop  }
0x7: {  	_ = 	snop  }
__scs_overlays_trampoline_lowered:
0x8: {  	[smem:$0x3F9D] =	sst s0  }
0x9: {  	[smem:$0x3F9E] =	sst s1  }
0xa: {  	[smem:$0x3F9F] =	sst s2  }
0xb: {  	[smem:$0x3FA0] =	sst s3  }
0xc: {  	[smem:$0x3FA1] =	sst s4  }
0xd: {  	[smem:$0x3FA2] =	sst s5  }
0xe: {  	[smem:$0x3FA3] =	sst s6  }
0xf: {  	[smem:$0x3FA4] =	sst s7  }
0x10: {  	[smem:$0x3FA5] =	sst s8  }
0x11: {  	[smem:$0x3FA6] =	sst s9;
	s0 =	simm.s32 @!p0 $0x0  }
0x12: {  	s1 =	sld [smem:$0x3F8C];
	s0 =	simm.s32 @p0 $0x1  }
0x13: {  	[smem:$0x3FA7] =	sst s0;
	s0 =	simm.s32 @!p1 $0x0  }
0x14: {  	s2 =	sld [smem:$0x3F8B];
	s0 =	simm.s32 @p1 $0x1  }
0x15: {  	[smem:$0x3FA8] =	sst s0;
	s0 =	simm.s32 @!p2 $0x0  }
0x16: {  	s3 =	sld [smem:$0x3FDB];
	s0 =	simm.s32 @p2 $0x1  }
0x17: {  	s4 =	simm.s32 $0x1BF5;
	[smem:$0x3FAA] =	sst s0  }
0x18: {  	s0 =	sld [smem:$0x3F8D];
	_ =	swait.ge [sflag:s4], $0x0  }
0x19: {  	s7 =	sld [smem:$0x3F8E]  }
0x1a: {  	s8 =	sadd.s32 $0xFFFFE003, lr  }
0x1b: {  	s9 =	sadd.s32 $0xFFFFFEF7, lr;
	s5 =	simm.s32 $0xFFFFFFFF;
	p2 =	slt.u32 s8, $0xFFFFF086  }
0x1c: {  	p1 =	slt.u32 s9, $0xF7A;
	s5 =	simm.s32 @!p2 $0x0  }
0x1d: {  	s5 =	simm.s32 @p1 $0x1;
	p0 =	seq.s32 s7, s2  }
0x1e: {  	s7 =	smul.u32 @!p0 $0xF7A, s2;
	p2 =	seq.s32 @!p0 s5, $0x0  }
0x1f: {  	s9 =	smul.u32 $0xF7A, s1;
	s8 =	simm.s32 @!p0 $0x1BF5;
	p2 =	por !p2, p0  }
0x20: {  	[sflag:s8] =	ssyncset.s32 @!p0 $0xFFFFF086;
	s6 =	sadd.s32 @!p0 s3, s7;
	s7 =	simm.s32 @!p0 $0x108  }
0x21: {  	s3 =	sadd.s32 s3, s9;
	s6 =	sadd.s32 @!p0 $0x88, s6;
	s7 =	simm.s32 @p2 $0x1082  }
0x22: {  	[simem:s7], [sflag:s8] =	dma.local @!p0 [hbm:s6], $0xF7A  }
0x23: {  	s9 =	sor.u32 $0xD0000000, s2;
	s6 =	simm.s32 $0x108;
	_ =	swait.ge @!p0 [sflag:s8], $0x0  }
0x24: {  	s3 =	sadd.s32 $0x88, s3;
	s6 =	simm.s32 @!p1 $0x1082;
	[sflag:s4] =	ssyncset.s32 $0xFFFFF086  }
0x25: {  	[simem:s6], [sflag:s4] =	dma.local [hbm:s3], $0xF7A  }
0x26: {  	[smem:$0x3F8E] =	sst s1;
	(tag) =	ssettag s2;
	_ =	strace s9  }
0x27: {  	s1 =	sld [smem:$0x3F9E]  }
0x28: {  	s2 =	sld [smem:$0x3F9F]  }
0x29: {  	s4 =	sld [smem:$0x3FA1]  }
0x2a: {  	p0 =	seq.s32 s5, $0x0;
	s5 =	sld [smem:$0x3FA2]  }
0x2b: {  	s6 =	sld [smem:$0x3FA3]  }
0x2c: {  	s7 =	sld [smem:$0x3FA4]  }
0x2d: {  	s3 =	simm.s32 $0x108;
	s8 =	sld [smem:$0x3FA5]  }
0x2e: {  	s3 =	simm.s32 @!p0 $0x1082;
	s9 =	sld [smem:$0x3FA6]  }
0x2f: {  	lr =	sadd.s32 s0, s3;
	s0 =	sld [smem:$0x3F9D]  }
0x30: {  	s3 =	sld [smem:$0x3FA0]  }
0x31: {  	[smem:$0x3FA9] =	sst s10  }
0x32: {  	s10 =	sld [smem:$0x3FA7];
	_ =	sdelay $0x3  }
0x33: {  	p0 =	seq.s32 s10, $0x1;
	s10 =	sld [smem:$0x3FA9];
	_ =	sdelay $0x3  }
0x34: {  	[smem:$0x3FA9] =	sst s10  }
0x35: {  	s10 =	sld [smem:$0x3FA8];
	_ =	sdelay $0x3  }
0x36: {  	p1 =	seq.s32 s10, $0x1;
	s10 =	sld [smem:$0x3FA9];
	_ =	sdelay $0x3  }
0x37: {  	[smem:$0x3FA9] =	sst s10  }
0x38: {  	s10 =	sld [smem:$0x3FAA]  }
0x39: {  	_ = 	snop;
	(pc) =	sbr.ind lr, $3  }
0x3a: {  	_ = 	snop  }
0x3b: {  	_ = 	snop  }
0x3c: {  	p2 =	seq.s32 s10, $0x1;
	s10 =	sld [smem:$0x3FA9]  }
0x3d: {  	_ =	shalt  }
0x3e: {  	_ =	shalt  }
0x3f: {  	_ =	shalt  }
0x40: {  	_ =	shalt  }
0x41: {  	_ =	shalt  }
0x42: {  	_ =	shalt  }
0x43: {  	_ =	shalt  }
0x44: {  	_ =	shalt  }
0x45: {  	_ =	shalt  }
0x46: {  	_ =	shalt  }
0x47: {  	_ =	shalt  }
0x48: {  	_ =	shalt  }
0x49: {  	_ =	shalt  }
0x4a: {  	_ =	shalt  }
0x4b: {  	_ =	shalt  }
0x4c: {  	_ =	shalt  }
0x4d: {  	_ =	shalt  }
0x4e: {  	_ =	shalt  }
0x4f: {  	_ =	shalt  }
0x50: {  	_ =	shalt  }
0x51: {  	_ =	shalt  }
0x52: {  	_ =	shalt  }
0x53: {  	_ =	shalt  }
0x54: {  	_ =	shalt  }
0x55: {  	_ =	shalt  }
0x56: {  	_ =	shalt  }
0x57: {  	_ =	shalt  }
0x58: {  	_ =	shalt  }
0x59: {  	_ =	shalt  }
0x5a: {  	_ =	shalt  }
0x5b: {  	_ =	shalt  }
0x5c: {  	_ =	shalt  }
0x5d: {  	_ =	shalt  }
0x5e: {  	_ =	shalt  }
0x5f: {  	_ =	shalt  }
0x60: {  	_ =	shalt  }
0x61: {  	_ =	shalt  }
0x62: {  	_ =	shalt  }
0x63: {  	_ =	shalt  }
0x64: {  	_ =	shalt  }
0x65: {  	_ =	shalt  }
0x66: {  	_ =	shalt  }
0x67: {  	_ =	shalt  }
0x68: {  	_ =	shalt  }
0x69: {  	_ =	shalt  }
0x6a: {  	_ =	shalt  }
0x6b: {  	_ =	shalt  }
0x6c: {  	_ =	shalt  }
0x6d: {  	_ =	shalt  }
0x6e: {  	_ =	shalt  }
0x6f: {  	_ =	shalt  }
0x70: {  	_ =	shalt  }
0x71: {  	_ =	shalt  }
0x72: {  	_ =	shalt  }
0x73: {  	_ =	shalt  }
0x74: {  	_ =	shalt  }
0x75: {  	_ =	shalt  }
0x76: {  	_ =	shalt  }
0x77: {  	_ =	shalt  }
0x78: {  	_ =	shalt  }
0x79: {  	_ =	shalt  }
0x7a: {  	_ =	shalt  }
0x7b: {  	_ =	shalt  }
0x7c: {  	_ =	shalt  }
0x7d: {  	_ =	shalt  }
0x7e: {  	_ =	shalt  }
0x7f: {  	_ =	shalt  }
0x80: {  	_ =	shalt  }
0x81: {  	_ =	shalt  }
0x82: {  	_ =	shalt  }
0x83: {  	_ =	shalt  }
0x84: {  	_ =	shalt  }
0x85: {  	_ =	shalt  }
0x86: {  	_ =	shalt  }
0x87: {  	_ =	shalt  }
.Lfunc_end0:
.L_simem_size_0:
called_computation.1_lowered:
.L_overlay_start_0:
0x88: {  	s2 =	sld [smem:$0x3FD9]  }
0x89: {  	s3 =	sld [smem:$0x3FFE];
	_ =	sdelay $0x1  }
0x8a: {  	s1 =	srdreg.scid  }
0x8b: {  	s0 =	sand.u32 $0x1, s1  }
0x8c: {  	s16 =	sshll.u32 s0, $0xA;
	s2 =	sadd.s32 s3, s2  }
0x8d: {  	s2 =	sadd.s32 s2, s16  }
0x8e: {  	[smem:$0x3FB5] =	sst s2  }
0x8f: {  	_ = 	snop  }
0x90: {  	(tm) =	ssettm $0x1  }
0x91: {  	s17 =	sld [smem:$0x3FFB];
	_ =	sdelay $0x3  }
0x92: {  	_ =	strace s17  }
0x93: {  	s2 =	sld [smem:$0x3FFC];
	_ =	sdelay $0x3  }
0x94: {  	_ =	strace s2  }
0x95: {  	s2 =	sld [smem:$0x3FFD];
	_ =	sdelay $0x3  }
0x96: {  	_ =	strace s2  }
0x97: {  	_ =	strace $0x8FFFFFFF  }
0x98: {  	s18 =	sld [smem:$0x3FDB];
	_ =	sdelay $0x1  }
0x99: {  	s19 =	simm.s32 $_scs_section_size  }
0x9a: {  	s4 =	simm.s32 $_size__tile_overlayer_lowered;
	s5 =	simm.s32 $_tile_overlayer_lowered  }
0x9b: {  	s22 =	simm.s32 $0x1BFF;
	s21 =	sshll.u32 s5, $0x1;
	s2 =	sadd.s32 s19, s18  }
0x9c: {  	s6 =	simm.s32 $0x0;
	s20 =	sshll.u32 s4, $0x1;
	s4 =	sadd.s32 s21, s2  }
0x9d: {  	[timem:s6], [sflag:s22] =	dma.local [hbm:s4], s20  }
0x9e: {  	_ =	swait.ge [sflag:s22], s20  }
0x9f: {  	s3 =	ssub.s32 $0x0, s20;
	[sflag:s22] =	ssyncset.done $0x0  }
0xa0: {  	[sflag:s22] =	ssyncadd.s32 s3;
	_ =	sdelay $0x1  }
0xa1: {  	s23 =	simm.s32 $0x1B8B  }
0xa2: {  	_ =	swait.ge [sflag:s23], $0x1  }
0xa3: {  	[sflag:s23] =	ssyncset.done $0x0  }
0xa4: {  	s25 =	simm.s32 $0x1B8E;
	s24 =	sld [smem:$0x3FFE];
	[sflag:s23] =	ssyncadd.s32 $0xFFFFFFFF  }
0xa5: {  	s26 =	simm.s32 $execute0_lowered;
	[smem:$0x3FD2] =	sst s25  }
0xa6: {  	s4 =	sshll.u32 s26, $0x1;
	_ =	strace $0x80000049;
	[dreg:$0x1] =	wrdreg $0xFFFFFFFF  }
0xa7: {  	s28 =	simm.s32 $_size_execute0_lowered;
	s2 =	sadd.s32 s2, s4;
	[dreg:$0x0] =	wrdreg $0x0  }
0xa8: {  	s4 =	sshll.u32 s28, $0x1;
	[dreg:$0x2] =	wrdreg s2  }
0xa9: {  	[dreg:$0x3] =	wrdreg s4  }
0xaa: {  	[dreg:$0x4] =	wrdreg $0xC0  }
0xab: {  	_ =	task [dreg:s6], $0x5FFFF  }
0xac: {  	[dreg:$0x1] =	wrdreg $0xFFFFFFFF  }
0xad: {  	[dreg:$0x0] =	wrdreg $0x60  }
0xae: {  	[dreg:$0x2] =	wrdreg s24  }
0xaf: {  	[dreg:$0x3] =	wrdreg $0x9  }
0xb0: {  	_ =	task.clear_ibuf [dreg:s6], $0x4FFFF;
	_ =	strace $0x90000049  }
0xb1: {  	s29 =	simm.s32 $0x9;
	_ =	strace $0x8000004B  }
0xb2: {  	_ =	swait.ge [sflag:s29], $0x1  }
0xb3: {  	[sflag:s29] =	ssyncadd.s32 $0xFFFFFFFF  }
0xb4: {  	_ =	strace $0x9000004B  }
0xb5: {  	_ =	sfence  }
0xb6: {  	s30 =	sld [smem:$0x0];
	_ =	sdelay $0x2  }
0xb7: {  	s31 =	sshll.u32 s1, $0xD;
	s1 =	sshrl.u32 s1, $0x2  }
0xb8: {  	s3 =	sand.u32 $0x4000, s31;
	s1 =	sadd.s32 s1, s30  }
0xb9: {  	s0 =	sor.u32 s3, s0;
	s1 =	sshll.u32 s1, $0x11  }
0xba: {  	s0 =	sor.u32 s1, s0  }
0xbb: {  	s0 =	sadd.s32 $0x8F2B, s0  }
0xbc: {  	[sflag:s0] =	ssyncadd.remote.s32 $0x1  }
0xbd: {  	_ =	sfence.sel $0xFFFF  }
0xbe: {  	[dreg:$0x0] =	wrdreg $0xFFFFFFFF;
	(pc) =	sbr.abs _section_cstart, $3  }
0xbf: {  	[dreg:$0x1] =	wrdreg $0xFFFFFFFF  }
0xc0: {  	_ =	task.clear_ibuf [dreg:s6], $0x2FFFF;
	_ =	strace $0x9FFFFFFF  }
0xc1: {  	(tm) =	ssettm $0x7FFFFFFF  }
tec
execute0_lowered:
.L_overlay_start_1:
0x0: {  	(tag) =	ssettag $0x1  }
0x1: {  	s1 =	srdreg.scid  }
0x2: {  	s0 =	stileid.u32;
	s6 =	rddreg [dreg:$0x0];
	s17 =	simm.s32 $0xA00  }
0x3: {  	s18 =	simm.s32 $0x1200;
	s19 =	simm.s32 $0x1A00;
	s21 =	simm.s32 $0x2200  }
0x4: {  	s22 =	simm.s32 $0x2A00;
	s1 =	sand.u32 $0x1, s1;
	s2 =	sshll.u32 s0, $0x1  }
0x5: {  	s23 =	simm.s32 $0x3A00;
	s3 =	sor.u32 s1, s2;
	s2 =	simm.s32 $0x0  }
0x6: {  	s24 =	simm.s32 $0x4200;
	s25 =	simm.s32 $0x4A00;
	[smem:$0x7FF] =	sst s2  }
0x7: {  	s26 =	simm.s32 $0x5200;
	_ =	strace $0x8000004A;
	[dreg:$0x6] =	wrdreg s17  }
0x8: {  	s9 =	simm.s32 $0x200;
	s10 =	simm.s32 $0x3200;
	[dreg:$0x7] =	wrdreg s18  }
0x9: {  	s12 =	simm.s32 $0x6200;
	s28 =	simm.s32 $0x4;
	[dreg:$0x8] =	wrdreg s19  }
0xa: {  	s29 =	simm.s32 $0x5;
	s30 =	simm.s32 $0x6;
	[dreg:$0x9] =	wrdreg s21  }
0xb: {  	s31 =	simm.s32 $0x7;
	s14 =	sadd.s32 $0x4BA00, s6;
	[dreg:$0xa] =	wrdreg s22  }
0xc: {  	s1 =	ssub.s32 $0x2, s1;
	s4 =	smul.u32 $0x1800, s3;
	[dreg:$0xb] =	wrdreg s23  }
0xd: {  	s5 =	sshll.u32 s3, $0x6;
	s7 =	smul.u32 $0xC000, s3;
	[dreg:$0xc] =	wrdreg s24  }
0xe: {  	s20 =	sshrl.u32 s1, $0x1;
	s13 =	sadd.s32 s5, s6;
	[dreg:$0xd] =	wrdreg s25  }
0xf: {  	s1 =	ssub.s32 s1, s20;
	[dreg:$0xe] =	wrdreg s26;
	s17 =	simm.s32 $0x8A00  }
0x10: {  	s18 =	simm.s32 $0x9200;
	s19 =	simm.s32 $0x9A00;
	s20 =	simm.s32 $0xA200  }
0x11: {  	s21 =	simm.s32 $0xAA00;
	s22 =	simm.s32 $0xB200;
	s23 =	simm.s32 $0xBA00  }
0x12: {  	s24 =	simm.s32 $0x1;
	s25 =	simm.s32 $0x2;
	s26 =	simm.s32 $0x3  }
0x13: {  	s8 =	sadd.s32 $0x4B200, s13;
	s3 =	sadd.s32 s14, s4;
	s15 =	sshrl.u32 s7, $0x3  }
0x14: {  	s7 =	smax.u32 s1, $0x1;
	s13 =	simm.s32 $0x6A00;
	s1 =	simm.s32 $0x8  }
0x15: {  	[dreg:$0x2] =	wrdreg s8;
	s16 =	sadd.s32 $0x600, s3;
	s4 =	sadd.s32 s14, s15  }
0x16: {  	s8 =	simm.s32 $0x9;
	[dreg:$0x3] =	wrdreg s16;
	s5 =	sadd.s32 $0xC00, s4  }
0x17: {  	v2 =	vlaneseq.u32;
	s14 =	simm.s32 $0x7200;
	s4 =	sadd.s32 $0x1200, s4;
	[dreg:$0x4] =	wrdreg s5  }
0x18: {  	vm0 =	vmmov $0xffff;
	v1 =	vshrl.u32 v2, $0x3;
	s15 =	simm.s32 $0x7A00;
	s16 =	simm.s32 $0x8200;
	[dreg:$0x5] =	wrdreg s4  }
0x19: {  	v0 =	vand.u32 $0x7, v2;
	v2 =	vor.u32 $0x8, v2;
	v1 =	vmul.u32 $0x8, v1;
	s4 =	sadd.s32 $0x2A00, s6;
	s5 =	sadd.s32 $0x2B00, s6;
	s6 =	sadd.s32 $0x2C00, s6  }
.LBB2_1:
0x1a: {  	s0 =	rddreg [dreg:$0x2]  }
0x1b: {  	[tilespmem:s2], [sflag:$0x9] =	stream.linear.gather [hbm4b:s0+s2], $0x200, $0x38;
	[tilespmem:$0xC200] =	vst v63  }
0x1c: {  	_ =	swait.ge [sflag:s8], $0x200  }
0x1d: {  	[sflag:s8] =	ssyncset.done $0x0  }
0x1e: {  	[sflag:s8] =	ssyncadd.s32 $0xFFFFFE00  }
0x1f: {  	v3 =	vld [tilespmem:$0x0];
	_ =	sdelay $0x4  }
0x20: {  	v4 =	vshrl.u32 v3, $0x3  }
0x21: {  	v4 =	vmul.u32 $0x30, v4  }
0x22: {  	v3 =	vand.u32 $0x7, v3  }
0x23: {  	v3 =	vor.u32 v3, v4  }
0x24: {  	v4 =	vperm.xlane v3, v0;
	_ =	sdelay $0x1  }
0x25: {  	v4 =	vadd.s32 v1, v4;
	_ =	sdelay $0x3  }
0x26: {  	v3 =	vperm.xlane v3, v2  }
0x27: {  	[tilespmem:s9], [sflag:$0x1] =	stream.indirect_vreg.gather [hbm4b:s4+s2], $0x80, v4, vm0, $0xb8;
	[tilespmem:$0xC200] =	vst v63  }
0x28: {  	s0 =	rddreg [dreg:$0x6];
	v3 =	vadd.s32 v1, v3  }
0x29: {  	[tilespmem:s0], [sflag:$0x1] =	stream.indirect_vreg.gather [hbm4b:s5+s2], $0x80, v4, vm0, $0xb8;
	[tilespmem:$0xC200] =	vst v63  }
0x2a: {  	s11 =	rddreg [dreg:$0x7]  }
0x2b: {  	[tilespmem:s11], [sflag:$0x1] =	stream.indirect_vreg.gather [hbm4b:s6+s2], $0x80, v4, vm0, $0xb8;
	[tilespmem:$0xC200] =	vst v63  }
0x2c: {  	s0 =	rddreg [dreg:$0x8]  }
0x2d: {  	[tilespmem:s0], [sflag:$0x1] =	stream.indirect_vreg.gather [hbm4b:s4+s2], $0x80, v3, vm0, $0xb8;
	[tilespmem:$0xC200] =	vst v63  }
0x2e: {  	s11 =	rddreg [dreg:$0x9]  }
0x2f: {  	[tilespmem:s11], [sflag:$0x1] =	stream.indirect_vreg.gather [hbm4b:s5+s2], $0x80, v3, vm0, $0xb8;
	[tilespmem:$0xC200] =	vst v63  }
0x30: {  	s0 =	rddreg [dreg:$0xa]  }
0x31: {  	[tilespmem:s0], [sflag:$0x1] =	stream.indirect_vreg.gather [hbm4b:s6+s2], $0x80, v3, vm0, $0xb8;
	[tilespmem:$0xC200] =	vst v63  }
0x32: {  	v3 =	vld [tilespmem:$0x80];
	_ =	sdelay $0x4  }
0x33: {  	v61 =	vshrl.u32 v3, $0x3  }
0x34: {  	v4 =	vmul.u32 $0x30, v61  }
0x35: {  	v3 =	vand.u32 $0x7, v3  }
0x36: {  	v3 =	vor.u32 v3, v4  }
0x37: {  	v4 =	vperm.xlane v3, v0;
	_ =	sdelay $0x1  }
0x38: {  	v4 =	vadd.s32 v1, v4;
	_ =	sdelay $0x3  }
0x39: {  	v3 =	vperm.xlane v3, v2  }
0x3a: {  	[tilespmem:s10], [sflag:$0x2] =	stream.indirect_vreg.gather [hbm4b:s4+s2], $0x80, v4, vm0, $0xb8;
	[tilespmem:$0xC200] =	vst v63  }
0x3b: {  	s0 =	rddreg [dreg:$0xb];
	v3 =	vadd.s32 v1, v3  }
0x3c: {  	[tilespmem:s0], [sflag:$0x2] =	stream.indirect_vreg.gather [hbm4b:s5+s2], $0x80, v4, vm0, $0xb8;
	[tilespmem:$0xC200] =	vst v63  }
0x3d: {  	s11 =	rddreg [dreg:$0xc]  }
0x3e: {  	[tilespmem:s11], [sflag:$0x2] =	stream.indirect_vreg.gather [hbm4b:s6+s2], $0x80, v4, vm0, $0xb8;
	[tilespmem:$0xC200] =	vst v63  }
0x3f: {  	s0 =	rddreg [dreg:$0xd]  }
0x40: {  	[tilespmem:s0], [sflag:$0x2] =	stream.indirect_vreg.gather [hbm4b:s4+s2], $0x80, v3, vm0, $0xb8;
	[tilespmem:$0xC200] =	vst v63  }
0x41: {  	s11 =	rddreg [dreg:$0xe]  }
0x42: {  	[tilespmem:s11], [sflag:$0x2] =	stream.indirect_vreg.gather [hbm4b:s5+s2], $0x80, v3, vm0, $0xb8;
	[tilespmem:$0xC200] =	vst v63  }
0x43: {  	s11 =	simm.s32 $0x5A00  }
0x44: {  	[tilespmem:s11], [sflag:$0x2] =	stream.indirect_vreg.gather [hbm4b:s6+s2], $0x80, v3, vm0, $0xb8;
	[tilespmem:$0xC200] =	vst v63  }
0x45: {  	v3 =	vld [tilespmem:$0x100];
	_ =	sdelay $0x4  }
0x46: {  	v62 =	vshrl.u32 v3, $0x3  }
0x47: {  	v4 =	vmul.u32 $0x30, v62  }
0x48: {  	v3 =	vand.u32 $0x7, v3  }
0x49: {  	v3 =	vor.u32 v3, v4  }
0x4a: {  	v4 =	vperm.xlane v3, v0;
	_ =	sdelay $0x1  }
0x4b: {  	v4 =	vadd.s32 v1, v4;
	_ =	sdelay $0x3  }
0x4c: {  	v3 =	vperm.xlane v3, v2  }
0x4d: {  	[tilespmem:s12], [sflag:$0x3] =	stream.indirect_vreg.gather [hbm4b:s4+s2], $0x80, v4, vm0, $0xb8;
	[tilespmem:$0xC200] =	vst v63  }
0x4e: {  	v3 =	vadd.s32 v1, v3  }
0x4f: {  	[tilespmem:s13], [sflag:$0x3] =	stream.indirect_vreg.gather [hbm4b:s5+s2], $0x80, v4, vm0, $0xb8;
	[tilespmem:$0xC200] =	vst v63  }
0x50: {  	_ = 	snop  }
0x51: {  	[tilespmem:s14], [sflag:$0x3] =	stream.indirect_vreg.gather [hbm4b:s6+s2], $0x80, v4, vm0, $0xb8;
	[tilespmem:$0xC200] =	vst v63  }
0x52: {  	_ = 	snop  }
0x53: {  	[tilespmem:s15], [sflag:$0x3] =	stream.indirect_vreg.gather [hbm4b:s4+s2], $0x80, v3, vm0, $0xb8;
	[tilespmem:$0xC200] =	vst v63  }
0x54: {  	_ = 	snop  }
0x55: {  	[tilespmem:s16], [sflag:$0x3] =	stream.indirect_vreg.gather [hbm4b:s5+s2], $0x80, v3, vm0, $0xb8;
	[tilespmem:$0xC200] =	vst v63  }
0x56: {  	_ = 	snop  }
0x57: {  	[tilespmem:s17], [sflag:$0x3] =	stream.indirect_vreg.gather [hbm4b:s6+s2], $0x80, v3, vm0, $0xb8;
	[tilespmem:$0xC200] =	vst v63  }
0x58: {  	v3 =	vld [tilespmem:$0x180];
	_ =	sdelay $0x4  }
0x59: {  	v63 =	vshrl.u32 v3, $0x3  }
0x5a: {  	v4 =	vmul.u32 $0x30, v63  }
0x5b: {  	v3 =	vand.u32 $0x7, v3  }
0x5c: {  	v3 =	vor.u32 v3, v4  }
0x5d: {  	v4 =	vperm.xlane v3, v0;
	_ =	sdelay $0x1  }
0x5e: {  	v4 =	vadd.s32 v1, v4;
	_ =	sdelay $0x3  }
0x5f: {  	v3 =	vperm.xlane v3, v2  }
0x60: {  	[tilespmem:s18], [sflag:$0x4] =	stream.indirect_vreg.gather [hbm4b:s4+s2], $0x80, v4, vm0, $0xb8;
	[tilespmem:$0xC200] =	vst v63  }
0x61: {  	v3 =	vadd.s32 v1, v3  }
0x62: {  	[tilespmem:s19], [sflag:$0x4] =	stream.indirect_vreg.gather [hbm4b:s5+s2], $0x80, v4, vm0, $0xb8;
	[tilespmem:$0xC200] =	vst v63  }
0x63: {  	_ = 	snop  }
0x64: {  	[tilespmem:s20], [sflag:$0x4] =	stream.indirect_vreg.gather [hbm4b:s6+s2], $0x80, v4, vm0, $0xb8;
	[tilespmem:$0xC200] =	vst v63  }
0x65: {  	_ = 	snop  }
0x66: {  	[tilespmem:s21], [sflag:$0x4] =	stream.indirect_vreg.gather [hbm4b:s4+s2], $0x80, v3, vm0, $0xb8;
	[tilespmem:$0xC200] =	vst v63  }
0x67: {  	_ = 	snop  }
0x68: {  	[tilespmem:s22], [sflag:$0x4] =	stream.indirect_vreg.gather [hbm4b:s5+s2], $0x80, v3, vm0, $0xb8;
	[tilespmem:$0xC200] =	vst v63  }
0x69: {  	_ = 	snop  }
0x6a: {  	[tilespmem:s23], [sflag:$0x4] =	stream.indirect_vreg.gather [hbm4b:s6+s2], $0x80, v3, vm0, $0xb8;
	[tilespmem:$0xC200] =	vst v63  }
0x6b: {  	_ =	swait.ge [sflag:s24], $0x3000  }
0x6c: {  	[sflag:s24] =	ssyncset.done $0x0  }
0x6d: {  	[sflag:s24] =	ssyncadd.s32 $0xFFFFD000  }
0x6e: {  	[hbm4b:s3+s2] =	stream.linear.scatter [tilespmem:s9], [sflag:$0x5], $0x3000, $0x38;
	[tilespmem:$0xC200] =	vst v63  }
0x6f: {  	_ =	swait.ge [sflag:s25], $0x3000  }
0x70: {  	[sflag:s25] =	ssyncset.done $0x0  }
0x71: {  	s11 =	rddreg [dreg:$0x3];
	[sflag:s25] =	ssyncadd.s32 $0xFFFFD000  }
0x72: {  	[hbm4b:s11+s2] =	stream.linear.scatter [tilespmem:s10], [sflag:$0x6], $0x3000, $0x38;
	[tilespmem:$0xC200] =	vst v63  }
0x73: {  	_ =	swait.ge [sflag:s26], $0x3000  }
0x74: {  	[sflag:s26] =	ssyncset.done $0x0  }
0x75: {  	s11 =	rddreg [dreg:$0x4];
	[sflag:s26] =	ssyncadd.s32 $0xFFFFD000  }
0x76: {  	[hbm4b:s11+s2] =	stream.linear.scatter [tilespmem:s12], [sflag:$0x7], $0x3000, $0x38;
	[tilespmem:$0xC200] =	vst v63  }
0x77: {  	_ =	swait.ge [sflag:s28], $0x3000  }
0x78: {  	[sflag:s28] =	ssyncset.done $0x0  }
0x79: {  	s11 =	rddreg [dreg:$0x5];
	[sflag:s28] =	ssyncadd.s32 $0xFFFFD000  }
0x7a: {  	[hbm4b:s11+s2] =	stream.linear.scatter [tilespmem:s18], [sflag:$0x8], $0x3000, $0x38;
	[tilespmem:$0xC200] =	vst v63  }
0x7b: {  	_ =	swait.ge [sflag:s29], $0x3000  }
0x7c: {  	[sflag:s29] =	ssyncset.done $0x0  }
0x7d: {  	[sflag:s29] =	ssyncadd.s32 $0xFFFFD000  }
0x7e: {  	_ =	swait.ge [sflag:s30], $0x3000  }
0x7f: {  	[sflag:s30] =	ssyncset.done $0x0  }
0x80: {  	[sflag:s30] =	ssyncadd.s32 $0xFFFFD000  }
0x81: {  	p0 =	sne.s32 s7, $0x1;
	_ =	swait.ge [sflag:s31], $0x3000  }
.Ltmp0:
0x82: {  	[sflag:s31] =	ssyncset.done $0x0;
	(pc) =	sbr.rel @p0 .LBB2_1-.Ltmp0, $4  }
0x83: {  	[sflag:s31] =	ssyncadd.s32 $0xFFFFD000  }
0x84: {  	_ =	swait.ge [sflag:s1], $0x3000  }
0x85: {  	[sflag:s1] =	ssyncset.done $0x0  }
0x86: {  	s7 =	sadd.s32 $0xFFFFFFFF, s7;
	[sflag:s1] =	ssyncadd.s32 $0xFFFFD000  }
0x87: {  	_ =	sfence.sel $0x180000  }
0x88: {  	[bflag:$0x0] =	sbarrier.arrive $0xFFFF  }
0x89: {  	_ =	strace $0x9000004A  }
0x8a: {  	s0 =	stileid.u32;
	[bflag:$0x2] =	sbarrier.arrive $0xFFFF  }
0x8b: {  	p0 =	sne.s32 s0, $0x0;
	s0 =	rddreg [dreg:$0x1]  }
0x8c: {  	s0 =	sadd.s32 @!p0 $0x100000, s0  }
0x8d: {  	[sflag:s0] =	ssyncadd.tile.s32 @!p0 $0x1;
	_ =	shalt  }
.Lfunc_end2:
_tile_overlayer_lowered:
.L_overlay_start_2:
0x8e: {  	(tag) =	ssettag $0x2  }
0x8f: {  	s0 =	rddreg [dreg:$0x0];
	s2 =	stileid.u32  }
0x90: {  	s1 =	rddreg [dreg:$0x1];
	p0 =	sne.s32 s2, $0x0  }
0x91: {  	s3 =	rddreg [dreg:$0x2];
	[bflag:$0x3] =	sbarrier.arrive $0xFFFF;
	s2 =	simm.s32 @!p0 $0x1C09  }
0x92: {  	[timem:s3], [sflag:s2] =	dma.local @!p0 [hbm:s0], s1  }
0x93: {  	s0 =	simm.s32 @!p0 $0x9  }
0x94: {  	_ =	swait.ge @!p0 [sflag:s0], s1  }
0x95: {  	s1 =	ssub.s32 @!p0 $0x0, s1;
	[sflag:s0] =	ssyncset.done @!p0 $0x0  }
0x96: {  	[sflag:s0] =	ssyncadd.s32 @!p0 s1  }
0x97: {  	[bflag:$0x3] =	sbarrier.arrive $0xFFFF  }
0x98: {  	_ =	shalt  }

</sc_bundles>
